<compile_context>
chip_gen: v7x
topology: tpu7x:2x2x1
jax: 0.10.2.dev20260603
libtpu: 0.0.44.dev20260713+nightly
codegen_flags: <defaults>
</compile_context>

<pallas_src>
import jax
import jax.numpy as jnp
from jax import lax
from jax.experimental import pallas as pl
from jax.experimental.pallas import tpu as pltpu
from jax.experimental.pallas import tpu_sc as plsc

H = 64
NUM_NODES = 100000
S = 512
G = 128
NW = 32
NB = (NUM_NODES + S - 1) // S
NODES_PAD = NB * S
BPW = (NB + NW - 1) // NW
NSTARTS = ((NB + 1 + 15) // 16) * 16
ACC_ROWS = S + 8


def _body(table_h, ids_h, seg_h, starts_h, zeros_h, out_h,
          starts_v, idx_v, seg_v, lidx_v, rows_v, acc_sh, sem):
    cid = lax.axis_index("c")
    sid = lax.axis_index("s")
    wid = sid * 2 + cid
    arow = sid * ACC_ROWS

    pltpu.sync_copy(starts_h, starts_v)

    def block_body(i, carry):
        b = wid + i * NW

        @pl.when(b < NB)
        def _():
            pltpu.sync_copy(zeros_h, acc_sh.at[pl.ds(arow, ACC_ROWS)])

            base = pl.multiple_of((b // 8) * 8, 8)
            win = starts_v[pl.ds(base, 16)]
            r = b - base
            s0 = win[0]
            s1 = win[1]
            for l in range(1, 9):
                s0 = jnp.where(r == l, win[l], s0)
                s1 = jnp.where(r == l, win[l + 1], s1)
            a0 = s0 & ~7
            nchunks = (s1 - a0 + (G - 1)) // G
            bs = b * S

            def chunk(k, c2):
                off = pl.multiple_of(a0 + k * G, 8)
                pltpu.sync_copy(ids_h.at[pl.ds(off, G)], idx_v)
                pltpu.sync_copy(seg_h.at[pl.ds(off, G)], seg_v)
                for q in range(G // 16):
                    sv = seg_v[pl.ds(q * 16, 16)]
                    inb = (sv >= bs) & (sv < bs + S)
                    lidx_v[pl.ds(q * 16, 16)] = jnp.where(inb, sv - bs, S) + arow
                pltpu.async_copy(table_h.at[idx_v], rows_v, sem).wait()
                pltpu.sync_copy(rows_v, acc_sh.at[lidx_v], add=True)
                return c2

            lax.fori_loop(0, nchunks, chunk, 0)
            pltpu.sync_copy(acc_sh.at[pl.ds(arow, S)], out_h.at[pl.ds(bs, S)])

        return carry

    lax.fori_loop(0, BPW, block_body, 0)


def kernel(table, subtoken_ids, segment_ids):
    ids = subtoken_ids.astype(jnp.int32)
    seg = segment_ids.astype(jnp.int32)
    total = ids.shape[0]

    ids_p = jnp.concatenate([ids, jnp.zeros((G,), jnp.int32)])
    seg_p = jnp.concatenate([seg, jnp.full((G,), NODES_PAD, jnp.int32)])

    block_firsts = jnp.arange(NB + 1, dtype=jnp.int32) * S
    starts = jnp.searchsorted(seg, block_firsts, side="left").astype(jnp.int32)
    starts = jnp.concatenate(
        [starts, jnp.full((NSTARTS - (NB + 1),), total, jnp.int32)])

    zeros = jnp.zeros((ACC_ROWS, H), jnp.float32)

    kfn = pl.kernel(
        _body,
        out_type=jax.ShapeDtypeStruct((NODES_PAD, H), jnp.float32),
        mesh=plsc.VectorSubcoreMesh(core_axis_name="c", subcore_axis_name="s"),
        compiler_params=pltpu.CompilerParams(use_tc_tiling_on_sc=False),
        scratch_types=[
            pltpu.VMEM((NSTARTS,), jnp.int32),
            pltpu.VMEM((G,), jnp.int32),
            pltpu.VMEM((G,), jnp.int32),
            pltpu.VMEM((G,), jnp.int32),
            pltpu.VMEM((G, H), jnp.float32),
            pltpu.VMEM_SHARED((16 * ACC_ROWS, H), jnp.float32),
            pltpu.SemaphoreType.DMA,
        ],
    )
    out = kfn(table, ids_p, seg_p, starts, zeros)
    return out[:NUM_NODES]

# --- scband reference (transcript-rebuilt; emitter-appended) ---
"""Pipeline reference for scband-sub-token-embedding-17403207483995 (READ-ONLY COPY).

The authoritative reference and input builder live on the scoring server;
editing this copy changes nothing except your own understanding.
"""

import jax, jax.numpy as jnp
import numpy as np

VOCAB = 100000      # subtoken vocab size (token_vocab_size)
H_EMB = 64          # embedding dim
NUM_NODES = 100000  # number of graph nodes
TOTAL_SUB = 500000  # total flattened subtokens (~5 per node)
NORMALIZE = False


def setup_inputs(seed: int = 0) -> dict:
    key = jax.random.key(seed)
    k1, k2, k3 = jax.random.split(key, 3)
    # flattened subtoken ids over all nodes (what the torch code builds into `subtoken_ids`)
    subtoken_ids = jax.random.randint(k1, (TOTAL_SUB,), 0, VOCAB, dtype=jnp.int64)
    # node assignment of each subtoken (the `node_slices` structure, flattened & sorted)
    segment_ids = jnp.sort(jax.random.randint(k2, (TOTAL_SUB,), 0, NUM_NODES, dtype=jnp.int64))
    # learned embedding table (nn.Embedding(token_vocab_size, h_emb, padding_idx=pad))
    table = jax.random.normal(k3, (VOCAB, H_EMB), dtype=jnp.float32)
    table = table.at[0].set(0.0)  # padding_idx row zeroed, as nn.Embedding does
    return {"table": table, "subtoken_ids": subtoken_ids, "segment_ids": segment_ids}


def reference(table, subtoken_ids, segment_ids):
    # full_subtokens_embeds = self.subtoken_embedding(torch.tensor(subtoken_ids))
    full_subtokens_embeds = jnp.take(table, subtoken_ids, axis=0)
    # token_embeds[node] = full_subtokens_embeds[node_slices[node]].sum(0)
    token_embeds = jax.ops.segment_sum(full_subtokens_embeds, segment_ids, num_segments=NUM_NODES)
    if NORMALIZE:
        token_embeds = token_embeds * np.sqrt(H_EMB)
    return token_embeds

if __name__ == "__main__":
    import jax
    _d = setup_inputs()
    print(jax.jit(kernel)(*tuple(_d.values())))

</pallas_src>

<mosaic_0001>
#map = affine_map<(d0, d1) -> (0, 0)>
#map1 = affine_map<(d0, d1) -> (0)>
module attributes {stable_mosaic.version = 14 : i64} {
  func.func @_body(%arg0: i32, %arg1: i32, %arg2: memref<100000x64xf32, #tpu.memory_space<hbm>>, %arg3: memref<500128xi32, #tpu.memory_space<hbm>>, %arg4: memref<500128xi32, #tpu.memory_space<hbm>>, %arg5: memref<208xi32, #tpu.memory_space<hbm>>, %arg6: memref<520x64xf32, #tpu.memory_space<hbm>>, %arg7: memref<100352x64xf32, #tpu.memory_space<hbm>>, %arg8: memref<208xi32, #tpu.memory_space<vmem>>, %arg9: memref<128xi32, #tpu.memory_space<vmem>>, %arg10: memref<128xi32, #tpu.memory_space<vmem>>, %arg11: memref<128xi32, #tpu.memory_space<vmem>>, %arg12: memref<128x64xf32, #tpu.memory_space<vmem>>, %arg13: memref<8320x64xf32, #tpu.memory_space<vmem_shared>>, %arg14: memref<!tpu.dma_semaphore, #tpu.memory_space<semaphore_mem>>) attributes {dimension_semantics = [#tpu.dimension_semantics<core_parallel>, #tpu.dimension_semantics<subcore_parallel>], iteration_bounds = array<i64: 2, 16>, scalar_prefetch = 0 : i64, scratch_operands = 7 : i64, tpu.core_type = #tpu.core_type<sc_vector_subcore>, window_params = [{transform_indices = #map}, {transform_indices = #map1}, {transform_indices = #map1}, {transform_indices = #map1}, {transform_indices = #map}, {transform_indices = #map}]} {
    %mul3A = arith.constant 2 : i32
    %mul3A_0 = arith.muli %arg1, %mul3A : i32
    %add3A = arith.addi %mul3A_0, %arg0 : i32
    %mul3A_1 = arith.constant 520 : i32
    %mul3A_2 = arith.muli %arg1, %mul3A_1 : i32
    "tpu.region"() ({
      %run_scoped3A = tpu.sem_alloc : memref<!tpu.dma_semaphore, #tpu.memory_space<semaphore_mem>>
      tpu.enqueue_dma source(%arg5 : memref<208xi32, #tpu.memory_space<hbm>>) target(%arg8 : memref<208xi32, #tpu.memory_space<vmem>>) target_semaphore(%run_scoped3A : memref<!tpu.dma_semaphore, #tpu.memory_space<semaphore_mem>>)
      tpu.wait_dma2 semaphore(%run_scoped3A : memref<!tpu.dma_semaphore, #tpu.memory_space<semaphore_mem>>) src(%arg5 : memref<208xi32, #tpu.memory_space<hbm>>) dst(%arg8 : memref<208xi32, #tpu.memory_space<vmem>>)
      tpu.yield
    }) : () -> ()
    %scan3A = arith.constant 0 : i32
    %scan3A_3 = arith.constant 0 : i32
    %scan3A_4 = arith.constant 7 : i32
    %scan3A_5 = arith.addi %scan3A_3, %scan3A_4 : i32
    %scan3A_6 = arith.constant 1 : i32
    scf.for %scan3A_8 = %scan3A_3 to %scan3A_5 step %scan3A_6  : i32 {
      %mul3A_9 = arith.constant 32 : i32
      %mul3A_10 = arith.muli %scan3A_8, %mul3A_9 : i32
      %add3A_11 = arith.addi %add3A, %mul3A_10 : i32
      %lt3A = arith.constant 196 : i32
      %lt3A_12 = arith.cmpi slt, %add3A_11, %lt3A : i32
      %convert_element_type3A = arith.extui %lt3A_12 : i1 to i32
      %cond3A = arith.constant 0 : i32
      %cond3A_13 = arith.cmpi ne, %convert_element_type3A, %cond3A : i32
      scf.if %cond3A_13 {
        "tpu.region"() ({
          %run_scoped3A = tpu.sem_alloc : memref<!tpu.dma_semaphore, #tpu.memory_space<semaphore_mem>>
          %dma_start3A = arith.constant 0 : i32
          %dma_start3A_156 = tpu.memref_slice %arg13[%mul3A_2, %dma_start3A] : memref<8320x64xf32, #tpu.memory_space<vmem_shared>> -> memref<520x64xf32, #tpu.memory_space<vmem_shared>>
          tpu.enqueue_dma source(%arg6 : memref<520x64xf32, #tpu.memory_space<hbm>>) target(%dma_start3A_156 : memref<520x64xf32, #tpu.memory_space<vmem_shared>>) target_semaphore(%run_scoped3A : memref<!tpu.dma_semaphore, #tpu.memory_space<semaphore_mem>>)
          %dma_wait3A = arith.constant 0 : i32
          %dma_wait3A_157 = tpu.memref_slice %arg13[%mul3A_2, %dma_wait3A] : memref<8320x64xf32, #tpu.memory_space<vmem_shared>> -> memref<520x64xf32, #tpu.memory_space<vmem_shared>>
          tpu.wait_dma2 semaphore(%run_scoped3A : memref<!tpu.dma_semaphore, #tpu.memory_space<semaphore_mem>>) src(%arg6 : memref<520x64xf32, #tpu.memory_space<hbm>>) dst(%dma_wait3A_157 : memref<520x64xf32, #tpu.memory_space<vmem_shared>>)
          tpu.yield
        }) : () -> ()
        %jit3A = arith.constant 8 : i32
        %div3A = arith.divsi %add3A_11, %jit3A : i32
        %sign3A = arith.constant 0 : i32
        %sign3A_14 = arith.cmpi sgt, %add3A_11, %sign3A : i32
        %sign3A_15 = arith.extui %sign3A_14 : i1 to i32
        %sign3A_16 = arith.constant 0 : i32
        %sign3A_17 = arith.cmpi slt, %add3A_11, %sign3A_16 : i32
        %sign3A_18 = arith.extui %sign3A_17 : i1 to i32
        %sign3A_19 = arith.subi %sign3A_15, %sign3A_18 : i32
        %sign3A_20 = arith.constant 0 : i32
        %sign3A_21 = arith.cmpi sgt, %jit3A, %sign3A_20 : i32
        %sign3A_22 = arith.extui %sign3A_21 : i1 to i32
        %sign3A_23 = arith.constant 0 : i32
        %sign3A_24 = arith.cmpi slt, %jit3A, %sign3A_23 : i32
        %sign3A_25 = arith.extui %sign3A_24 : i1 to i32
        %sign3A_26 = arith.subi %sign3A_22, %sign3A_25 : i32
        %ne3A = arith.cmpi ne, %sign3A_19, %sign3A_26 : i32
        %rem3A = arith.remsi %add3A_11, %jit3A : i32
        %ne3A_27 = arith.constant 0 : i32
        %ne3A_28 = arith.cmpi ne, %rem3A, %ne3A_27 : i32
        %and3A = arith.andi %ne3A, %ne3A_28 : i1
        %sub3A = arith.constant 1 : i32
        %sub3A_29 = arith.subi %div3A, %sub3A : i32
        %select_n3A = arith.select %and3A, %sub3A_29, %div3A : i32
        %mul3A_30 = arith.constant 8 : i32
        %mul3A_31 = arith.muli %select_n3A, %mul3A_30 : i32
        %multiple_of3A = tpu.assume_multiple %mul3A_31, 8 : i32
        %get3A = arith.index_cast %multiple_of3A : i32 to index
        %get3A_32 = tpu.vector_load %arg8[%get3A] {strides = array<i32>} : memref<208xi32, #tpu.memory_space<vmem>>, vector<16xi32>,
        %get3A_33 = vector.shape_cast %get3A_32 : vector<16xi32> to vector<16xi32>
        %sub3A_34 = arith.subi %add3A_11, %multiple_of3A : i32
        %slice3A = vector.extract_strided_slice %get3A_33 {offsets = [0], sizes = [1], strides = [1]} : vector<16xi32> to vector<1xi32>
        %squeeze3A = vector.extract %slice3A[0] : i32 from vector<1xi32>
        %slice3A_35 = vector.extract_strided_slice %get3A_33 {offsets = [1], sizes = [1], strides = [1]} : vector<16xi32> to vector<1xi32>
        %squeeze3A_36 = vector.extract %slice3A_35[0] : i32 from vector<1xi32>
        %eq3A = arith.constant 1 : i32
        %eq3A_37 = arith.cmpi eq, %sub3A_34, %eq3A : i32
        %slice3A_38 = vector.extract_strided_slice %get3A_33 {offsets = [1], sizes = [1], strides = [1]} : vector<16xi32> to vector<1xi32>
        %squeeze3A_39 = vector.extract %slice3A_38[0] : i32 from vector<1xi32>
        %select_n3A_40 = arith.select %eq3A_37, %squeeze3A_39, %squeeze3A : i32
        %eq3A_41 = arith.constant 1 : i32
        %eq3A_42 = arith.cmpi eq, %sub3A_34, %eq3A_41 : i32
        %slice3A_43 = vector.extract_strided_slice %get3A_33 {offsets = [2], sizes = [1], strides = [1]} : vector<16xi32> to vector<1xi32>
        %squeeze3A_44 = vector.extract %slice3A_43[0] : i32 from vector<1xi32>
        %select_n3A_45 = arith.select %eq3A_42, %squeeze3A_44, %squeeze3A_36 : i32
        %eq3A_46 = arith.constant 2 : i32
        %eq3A_47 = arith.cmpi eq, %sub3A_34, %eq3A_46 : i32
        %slice3A_48 = vector.extract_strided_slice %get3A_33 {offsets = [2], sizes = [1], strides = [1]} : vector<16xi32> to vector<1xi32>
        %squeeze3A_49 = vector.extract %slice3A_48[0] : i32 from vector<1xi32>
        %select_n3A_50 = arith.select %eq3A_47, %squeeze3A_49, %select_n3A_40 : i32
        %eq3A_51 = arith.constant 2 : i32
        %eq3A_52 = arith.cmpi eq, %sub3A_34, %eq3A_51 : i32
        %slice3A_53 = vector.extract_strided_slice %get3A_33 {offsets = [3], sizes = [1], strides = [1]} : vector<16xi32> to vector<1xi32>
        %squeeze3A_54 = vector.extract %slice3A_53[0] : i32 from vector<1xi32>
        %select_n3A_55 = arith.select %eq3A_52, %squeeze3A_54, %select_n3A_45 : i32
        %eq3A_56 = arith.constant 3 : i32
        %eq3A_57 = arith.cmpi eq, %sub3A_34, %eq3A_56 : i32
        %slice3A_58 = vector.extract_strided_slice %get3A_33 {offsets = [3], sizes = [1], strides = [1]} : vector<16xi32> to vector<1xi32>
        %squeeze3A_59 = vector.extract %slice3A_58[0] : i32 from vector<1xi32>
        %select_n3A_60 = arith.select %eq3A_57, %squeeze3A_59, %select_n3A_50 : i32
        %eq3A_61 = arith.constant 3 : i32
        %eq3A_62 = arith.cmpi eq, %sub3A_34, %eq3A_61 : i32
        %slice3A_63 = vector.extract_strided_slice %get3A_33 {offsets = [4], sizes = [1], strides = [1]} : vector<16xi32> to vector<1xi32>
        %squeeze3A_64 = vector.extract %slice3A_63[0] : i32 from vector<1xi32>
        %select_n3A_65 = arith.select %eq3A_62, %squeeze3A_64, %select_n3A_55 : i32
        %eq3A_66 = arith.constant 4 : i32
        %eq3A_67 = arith.cmpi eq, %sub3A_34, %eq3A_66 : i32
        %slice3A_68 = vector.extract_strided_slice %get3A_33 {offsets = [4], sizes = [1], strides = [1]} : vector<16xi32> to vector<1xi32>
        %squeeze3A_69 = vector.extract %slice3A_68[0] : i32 from vector<1xi32>
        %select_n3A_70 = arith.select %eq3A_67, %squeeze3A_69, %select_n3A_60 : i32
        %eq3A_71 = arith.constant 4 : i32
        %eq3A_72 = arith.cmpi eq, %sub3A_34, %eq3A_71 : i32
        %slice3A_73 = vector.extract_strided_slice %get3A_33 {offsets = [5], sizes = [1], strides = [1]} : vector<16xi32> to vector<1xi32>
        %squeeze3A_74 = vector.extract %slice3A_73[0] : i32 from vector<1xi32>
        %select_n3A_75 = arith.select %eq3A_72, %squeeze3A_74, %select_n3A_65 : i32
        %eq3A_76 = arith.constant 5 : i32
        %eq3A_77 = arith.cmpi eq, %sub3A_34, %eq3A_76 : i32
        %slice3A_78 = vector.extract_strided_slice %get3A_33 {offsets = [5], sizes = [1], strides = [1]} : vector<16xi32> to vector<1xi32>
        %squeeze3A_79 = vector.extract %slice3A_78[0] : i32 from vector<1xi32>
        %select_n3A_80 = arith.select %eq3A_77, %squeeze3A_79, %select_n3A_70 : i32
        %eq3A_81 = arith.constant 5 : i32
        %eq3A_82 = arith.cmpi eq, %sub3A_34, %eq3A_81 : i32
        %slice3A_83 = vector.extract_strided_slice %get3A_33 {offsets = [6], sizes = [1], strides = [1]} : vector<16xi32> to vector<1xi32>
        %squeeze3A_84 = vector.extract %slice3A_83[0] : i32 from vector<1xi32>
        %select_n3A_85 = arith.select %eq3A_82, %squeeze3A_84, %select_n3A_75 : i32
        %eq3A_86 = arith.constant 6 : i32
        %eq3A_87 = arith.cmpi eq, %sub3A_34, %eq3A_86 : i32
        %slice3A_88 = vector.extract_strided_slice %get3A_33 {offsets = [6], sizes = [1], strides = [1]} : vector<16xi32> to vector<1xi32>
        %squeeze3A_89 = vector.extract %slice3A_88[0] : i32 from vector<1xi32>
        %select_n3A_90 = arith.select %eq3A_87, %squeeze3A_89, %select_n3A_80 : i32
        %eq3A_91 = arith.constant 6 : i32
        %eq3A_92 = arith.cmpi eq, %sub3A_34, %eq3A_91 : i32
        %slice3A_93 = vector.extract_strided_slice %get3A_33 {offsets = [7], sizes = [1], strides = [1]} : vector<16xi32> to vector<1xi32>
        %squeeze3A_94 = vector.extract %slice3A_93[0] : i32 from vector<1xi32>
        %select_n3A_95 = arith.select %eq3A_92, %squeeze3A_94, %select_n3A_85 : i32
        %eq3A_96 = arith.constant 7 : i32
        %eq3A_97 = arith.cmpi eq, %sub3A_34, %eq3A_96 : i32
        %slice3A_98 = vector.extract_strided_slice %get3A_33 {offsets = [7], sizes = [1], strides = [1]} : vector<16xi32> to vector<1xi32>
        %squeeze3A_99 = vector.extract %slice3A_98[0] : i32 from vector<1xi32>
        %select_n3A_100 = arith.select %eq3A_97, %squeeze3A_99, %select_n3A_90 : i32
        %eq3A_101 = arith.constant 7 : i32
        %eq3A_102 = arith.cmpi eq, %sub3A_34, %eq3A_101 : i32
        %slice3A_103 = vector.extract_strided_slice %get3A_33 {offsets = [8], sizes = [1], strides = [1]} : vector<16xi32> to vector<1xi32>
        %squeeze3A_104 = vector.extract %slice3A_103[0] : i32 from vector<1xi32>
        %select_n3A_105 = arith.select %eq3A_102, %squeeze3A_104, %select_n3A_95 : i32
        %eq3A_106 = arith.constant 8 : i32
        %eq3A_107 = arith.cmpi eq, %sub3A_34, %eq3A_106 : i32
        %slice3A_108 = vector.extract_strided_slice %get3A_33 {offsets = [8], sizes = [1], strides = [1]} : vector<16xi32> to vector<1xi32>
        %squeeze3A_109 = vector.extract %slice3A_108[0] : i32 from vector<1xi32>
        %select_n3A_110 = arith.select %eq3A_107, %squeeze3A_109, %select_n3A_100 : i32
        %eq3A_111 = arith.constant 8 : i32
        %eq3A_112 = arith.cmpi eq, %sub3A_34, %eq3A_111 : i32
        %slice3A_113 = vector.extract_strided_slice %get3A_33 {offsets = [9], sizes = [1], strides = [1]} : vector<16xi32> to vector<1xi32>
        %squeeze3A_114 = vector.extract %slice3A_113[0] : i32 from vector<1xi32>
        %select_n3A_115 = arith.select %eq3A_112, %squeeze3A_114, %select_n3A_105 : i32
        %and3A_116 = arith.constant -8 : i32
        %and3A_117 = arith.andi %select_n3A_110, %and3A_116 : i32
        %sub3A_118 = arith.subi %select_n3A_115, %and3A_117 : i32
        %add3A_119 = arith.constant 127 : i32
        %add3A_120 = arith.addi %sub3A_118, %add3A_119 : i32
        %jit3A_121 = arith.constant 128 : i32
        %div3A_122 = arith.divsi %add3A_120, %jit3A_121 : i32
        %sign3A_123 = arith.constant 0 : i32
        %sign3A_124 = arith.cmpi sgt, %add3A_120, %sign3A_123 : i32
        %sign3A_125 = arith.extui %sign3A_124 : i1 to i32
        %sign3A_126 = arith.constant 0 : i32
        %sign3A_127 = arith.cmpi slt, %add3A_120, %sign3A_126 : i32
        %sign3A_128 = arith.extui %sign3A_127 : i1 to i32
        %sign3A_129 = arith.subi %sign3A_125, %sign3A_128 : i32
        %sign3A_130 = arith.constant 0 : i32
        %sign3A_131 = arith.cmpi sgt, %jit3A_121, %sign3A_130 : i32
        %sign3A_132 = arith.extui %sign3A_131 : i1 to i32
        %sign3A_133 = arith.constant 0 : i32
        %sign3A_134 = arith.cmpi slt, %jit3A_121, %sign3A_133 : i32
        %sign3A_135 = arith.extui %sign3A_134 : i1 to i32
        %sign3A_136 = arith.subi %sign3A_132, %sign3A_135 : i32
        %ne3A_137 = arith.cmpi ne, %sign3A_129, %sign3A_136 : i32
        %rem3A_138 = arith.remsi %add3A_120, %jit3A_121 : i32
        %ne3A_139 = arith.constant 0 : i32
        %ne3A_140 = arith.cmpi ne, %rem3A_138, %ne3A_139 : i32
        %and3A_141 = arith.andi %ne3A_137, %ne3A_140 : i1
        %sub3A_142 = arith.constant 1 : i32
        %sub3A_143 = arith.subi %div3A_122, %sub3A_142 : i32
        %select_n3A_144 = arith.select %and3A_141, %sub3A_143, %div3A_122 : i32
        %mul3A_145 = arith.constant 512 : i32
        %mul3A_146 = arith.muli %add3A_11, %mul3A_145 : i32
        %while3A = arith.constant 0 : i32
        %while3A_147 = arith.constant 0 : i32
        %while3A_148 = arith.subi %select_n3A_144, %while3A_147 : i32
        %while3A_149 = arith.addi %while3A_147, %while3A_148 : i32
        %while3A_150 = arith.constant 1 : i32
        %while3A_151 = arith.divsi %while3A_148, %while3A_150 : i32
        %while3A_152 = arith.muli %while3A_151, %while3A_150 : i32
        %while3A_153 = arith.addi %while3A_147, %while3A_152 : i32
        %while3A_154 = arith.constant 1 : i32
        scf.for %while3A_156 = %while3A_147 to %while3A_153 step %while3A_154  : i32 {
          %mul3A_157 = arith.constant 128 : i32
          %mul3A_158 = arith.muli %while3A_156, %mul3A_157 : i32
          %add3A_159 = arith.addi %and3A_117, %mul3A_158 : i32
          %multiple_of3A_160 = tpu.assume_multiple %add3A_159, 8 : i32
          "tpu.region"() ({
            %run_scoped3A = tpu.sem_alloc : memref<!tpu.dma_semaphore, #tpu.memory_space<semaphore_mem>>
            %dma_start3A_330 = tpu.memref_slice %arg3[%multiple_of3A_160] : memref<500128xi32, #tpu.memory_space<hbm>> -> memref<128xi32, #tpu.memory_space<hbm>>
            %dma_start3A_331 = tpu.memref_slice %arg3[%multiple_of3A_160] : memref<500128xi32, #tpu.memory_space<hbm>> -> memref<128xi32, #tpu.memory_space<hbm>>
            tpu.enqueue_dma source(%dma_start3A_331 : memref<128xi32, #tpu.memory_space<hbm>>) target(%arg9 : memref<128xi32, #tpu.memory_space<vmem>>) target_semaphore(%run_scoped3A : memref<!tpu.dma_semaphore, #tpu.memory_space<semaphore_mem>>)
            %dma_wait3A_332 = tpu.memref_slice %arg3[%multiple_of3A_160] : memref<500128xi32, #tpu.memory_space<hbm>> -> memref<128xi32, #tpu.memory_space<hbm>>
            %dma_wait3A_333 = tpu.memref_slice %arg3[%multiple_of3A_160] : memref<500128xi32, #tpu.memory_space<hbm>> -> memref<128xi32, #tpu.memory_space<hbm>>
            tpu.wait_dma2 semaphore(%run_scoped3A : memref<!tpu.dma_semaphore, #tpu.memory_space<semaphore_mem>>) src(%dma_wait3A_333 : memref<128xi32, #tpu.memory_space<hbm>>) dst(%arg9 : memref<128xi32, #tpu.memory_space<vmem>>)
            tpu.yield
          }) : () -> ()
          "tpu.region"() ({
            %run_scoped3A = tpu.sem_alloc : memref<!tpu.dma_semaphore, #tpu.memory_space<semaphore_mem>>
            %dma_start3A_330 = tpu.memref_slice %arg4[%multiple_of3A_160] : memref<500128xi32, #tpu.memory_space<hbm>> -> memref<128xi32, #tpu.memory_space<hbm>>
            %dma_start3A_331 = tpu.memref_slice %arg4[%multiple_of3A_160] : memref<500128xi32, #tpu.memory_space<hbm>> -> memref<128xi32, #tpu.memory_space<hbm>>
            tpu.enqueue_dma source(%dma_start3A_331 : memref<128xi32, #tpu.memory_space<hbm>>) target(%arg10 : memref<128xi32, #tpu.memory_space<vmem>>) target_semaphore(%run_scoped3A : memref<!tpu.dma_semaphore, #tpu.memory_space<semaphore_mem>>)
            %dma_wait3A_332 = tpu.memref_slice %arg4[%multiple_of3A_160] : memref<500128xi32, #tpu.memory_space<hbm>> -> memref<128xi32, #tpu.memory_space<hbm>>
            %dma_wait3A_333 = tpu.memref_slice %arg4[%multiple_of3A_160] : memref<500128xi32, #tpu.memory_space<hbm>> -> memref<128xi32, #tpu.memory_space<hbm>>
            tpu.wait_dma2 semaphore(%run_scoped3A : memref<!tpu.dma_semaphore, #tpu.memory_space<semaphore_mem>>) src(%dma_wait3A_333 : memref<128xi32, #tpu.memory_space<hbm>>) dst(%arg10 : memref<128xi32, #tpu.memory_space<vmem>>)
            tpu.yield
          }) : () -> ()
          %get3A_161 = arith.constant 0 : index
          %get3A_162 = tpu.vector_load %arg10[%get3A_161] {strides = array<i32>} : memref<128xi32, #tpu.memory_space<vmem>>, vector<16xi32>,
          %get3A_163 = vector.shape_cast %get3A_162 : vector<16xi32> to vector<16xi32>
          %ge3A = vector.broadcast %mul3A_146 : i32 to vector<16xi32>
          %ge3A_164 = arith.cmpi sge, %get3A_163, %ge3A : vector<16xi32>
          %add3A_165 = arith.constant 512 : i32
          %add3A_166 = arith.addi %mul3A_146, %add3A_165 : i32
          %lt3A_167 = vector.broadcast %add3A_166 : i32 to vector<16xi32>
          %lt3A_168 = arith.cmpi slt, %get3A_163, %lt3A_167 : vector<16xi32>
          %and3A_169 = arith.andi %ge3A_164, %lt3A_168 : vector<16xi1>
          %sub3A_170 = vector.broadcast %mul3A_146 : i32 to vector<16xi32>
          %sub3A_171 = arith.subi %get3A_163, %sub3A_170 : vector<16xi32>
          %jit3A_172 = arith.constant 512 : i32
          %broadcast_in_dim3A = vector.broadcast %jit3A_172 : i32 to vector<16xi32>
          %select_n3A_173 = arith.select %and3A_169, %sub3A_171, %broadcast_in_dim3A : vector<16xi1>, vector<16xi32>
          %add3A_174 = vector.broadcast %mul3A_2 : i32 to vector<16xi32>
          %add3A_175 = arith.addi %select_n3A_173, %add3A_174 : vector<16xi32>
          %swap3A = arith.constant 0 : index
          %swap3A_176 = tpu.vector_load %arg11[%swap3A] {strides = array<i32>} : memref<128xi32, #tpu.memory_space<vmem>>, vector<16xi32>,
          %swap3A_177 = vector.shape_cast %swap3A_176 : vector<16xi32> to vector<16xi32>
          %swap3A_178 = vector.shape_cast %add3A_175 : vector<16xi32> to vector<16xi32>
          tpu.vector_store %arg11[%swap3A], %swap3A_178 {strides = array<i32>} : memref<128xi32, #tpu.memory_space<vmem>>, vector<16xi32>,
          %get3A_179 = arith.constant 16 : index
          %get3A_180 = tpu.vector_load %arg10[%get3A_179] {strides = array<i32>} : memref<128xi32, #tpu.memory_space<vmem>>, vector<16xi32>,
          %get3A_181 = vector.shape_cast %get3A_180 : vector<16xi32> to vector<16xi32>
          %ge3A_182 = vector.broadcast %mul3A_146 : i32 to vector<16xi32>
          %ge3A_183 = arith.cmpi sge, %get3A_181, %ge3A_182 : vector<16xi32>
          %add3A_184 = arith.constant 512 : i32
          %add3A_185 = arith.addi %mul3A_146, %add3A_184 : i32
          %lt3A_186 = vector.broadcast %add3A_185 : i32 to vector<16xi32>
          %lt3A_187 = arith.cmpi slt, %get3A_181, %lt3A_186 : vector<16xi32>
          %and3A_188 = arith.andi %ge3A_183, %lt3A_187 : vector<16xi1>
          %sub3A_189 = vector.broadcast %mul3A_146 : i32 to vector<16xi32>
          %sub3A_190 = arith.subi %get3A_181, %sub3A_189 : vector<16xi32>
          %jit3A_191 = arith.constant 512 : i32
          %broadcast_in_dim3A_192 = vector.broadcast %jit3A_191 : i32 to vector<16xi32>
          %select_n3A_193 = arith.select %and3A_188, %sub3A_190, %broadcast_in_dim3A_192 : vector<16xi1>, vector<16xi32>
          %add3A_194 = vector.broadcast %mul3A_2 : i32 to vector<16xi32>
          %add3A_195 = arith.addi %select_n3A_193, %add3A_194 : vector<16xi32>
          %swap3A_196 = arith.constant 16 : index
          %swap3A_197 = tpu.vector_load %arg11[%swap3A_196] {strides = array<i32>} : memref<128xi32, #tpu.memory_space<vmem>>, vector<16xi32>,
          %swap3A_198 = vector.shape_cast %swap3A_197 : vector<16xi32> to vector<16xi32>
          %swap3A_199 = vector.shape_cast %add3A_195 : vector<16xi32> to vector<16xi32>
          tpu.vector_store %arg11[%swap3A_196], %swap3A_199 {strides = array<i32>} : memref<128xi32, #tpu.memory_space<vmem>>, vector<16xi32>,
          %get3A_200 = arith.constant 32 : index
          %get3A_201 = tpu.vector_load %arg10[%get3A_200] {strides = array<i32>} : memref<128xi32, #tpu.memory_space<vmem>>, vector<16xi32>,
          %get3A_202 = vector.shape_cast %get3A_201 : vector<16xi32> to vector<16xi32>
          %ge3A_203 = vector.broadcast %mul3A_146 : i32 to vector<16xi32>
          %ge3A_204 = arith.cmpi sge, %get3A_202, %ge3A_203 : vector<16xi32>
          %add3A_205 = arith.constant 512 : i32
          %add3A_206 = arith.addi %mul3A_146, %add3A_205 : i32
          %lt3A_207 = vector.broadcast %add3A_206 : i32 to vector<16xi32>
          %lt3A_208 = arith.cmpi slt, %get3A_202, %lt3A_207 : vector<16xi32>
          %and3A_209 = arith.andi %ge3A_204, %lt3A_208 : vector<16xi1>
          %sub3A_210 = vector.broadcast %mul3A_146 : i32 to vector<16xi32>
          %sub3A_211 = arith.subi %get3A_202, %sub3A_210 : vector<16xi32>
          %jit3A_212 = arith.constant 512 : i32
          %broadcast_in_dim3A_213 = vector.broadcast %jit3A_212 : i32 to vector<16xi32>
          %select_n3A_214 = arith.select %and3A_209, %sub3A_211, %broadcast_in_dim3A_213 : vector<16xi1>, vector<16xi32>
          %add3A_215 = vector.broadcast %mul3A_2 : i32 to vector<16xi32>
          %add3A_216 = arith.addi %select_n3A_214, %add3A_215 : vector<16xi32>
          %swap3A_217 = arith.constant 32 : index
          %swap3A_218 = tpu.vector_load %arg11[%swap3A_217] {strides = array<i32>} : memref<128xi32, #tpu.memory_space<vmem>>, vector<16xi32>,
          %swap3A_219 = vector.shape_cast %swap3A_218 : vector<16xi32> to vector<16xi32>
          %swap3A_220 = vector.shape_cast %add3A_216 : vector<16xi32> to vector<16xi32>
          tpu.vector_store %arg11[%swap3A_217], %swap3A_220 {strides = array<i32>} : memref<128xi32, #tpu.memory_space<vmem>>, vector<16xi32>,
          %get3A_221 = arith.constant 48 : index
          %get3A_222 = tpu.vector_load %arg10[%get3A_221] {strides = array<i32>} : memref<128xi32, #tpu.memory_space<vmem>>, vector<16xi32>,
          %get3A_223 = vector.shape_cast %get3A_222 : vector<16xi32> to vector<16xi32>
          %ge3A_224 = vector.broadcast %mul3A_146 : i32 to vector<16xi32>
          %ge3A_225 = arith.cmpi sge, %get3A_223, %ge3A_224 : vector<16xi32>
          %add3A_226 = arith.constant 512 : i32
          %add3A_227 = arith.addi %mul3A_146, %add3A_226 : i32
          %lt3A_228 = vector.broadcast %add3A_227 : i32 to vector<16xi32>
          %lt3A_229 = arith.cmpi slt, %get3A_223, %lt3A_228 : vector<16xi32>
          %and3A_230 = arith.andi %ge3A_225, %lt3A_229 : vector<16xi1>
          %sub3A_231 = vector.broadcast %mul3A_146 : i32 to vector<16xi32>
          %sub3A_232 = arith.subi %get3A_223, %sub3A_231 : vector<16xi32>
          %jit3A_233 = arith.constant 512 : i32
          %broadcast_in_dim3A_234 = vector.broadcast %jit3A_233 : i32 to vector<16xi32>
          %select_n3A_235 = arith.select %and3A_230, %sub3A_232, %broadcast_in_dim3A_234 : vector<16xi1>, vector<16xi32>
          %add3A_236 = vector.broadcast %mul3A_2 : i32 to vector<16xi32>
          %add3A_237 = arith.addi %select_n3A_235, %add3A_236 : vector<16xi32>
          %swap3A_238 = arith.constant 48 : index
          %swap3A_239 = tpu.vector_load %arg11[%swap3A_238] {strides = array<i32>} : memref<128xi32, #tpu.memory_space<vmem>>, vector<16xi32>,
          %swap3A_240 = vector.shape_cast %swap3A_239 : vector<16xi32> to vector<16xi32>
          %swap3A_241 = vector.shape_cast %add3A_237 : vector<16xi32> to vector<16xi32>
          tpu.vector_store %arg11[%swap3A_238], %swap3A_241 {strides = array<i32>} : memref<128xi32, #tpu.memory_space<vmem>>, vector<16xi32>,
          %get3A_242 = arith.constant 64 : index
          %get3A_243 = tpu.vector_load %arg10[%get3A_242] {strides = array<i32>} : memref<128xi32, #tpu.memory_space<vmem>>, vector<16xi32>,
          %get3A_244 = vector.shape_cast %get3A_243 : vector<16xi32> to vector<16xi32>
          %ge3A_245 = vector.broadcast %mul3A_146 : i32 to vector<16xi32>
          %ge3A_246 = arith.cmpi sge, %get3A_244, %ge3A_245 : vector<16xi32>
          %add3A_247 = arith.constant 512 : i32
          %add3A_248 = arith.addi %mul3A_146, %add3A_247 : i32
          %lt3A_249 = vector.broadcast %add3A_248 : i32 to vector<16xi32>
          %lt3A_250 = arith.cmpi slt, %get3A_244, %lt3A_249 : vector<16xi32>
          %and3A_251 = arith.andi %ge3A_246, %lt3A_250 : vector<16xi1>
          %sub3A_252 = vector.broadcast %mul3A_146 : i32 to vector<16xi32>
          %sub3A_253 = arith.subi %get3A_244, %sub3A_252 : vector<16xi32>
          %jit3A_254 = arith.constant 512 : i32
          %broadcast_in_dim3A_255 = vector.broadcast %jit3A_254 : i32 to vector<16xi32>
          %select_n3A_256 = arith.select %and3A_251, %sub3A_253, %broadcast_in_dim3A_255 : vector<16xi1>, vector<16xi32>
          %add3A_257 = vector.broadcast %mul3A_2 : i32 to vector<16xi32>
          %add3A_258 = arith.addi %select_n3A_256, %add3A_257 : vector<16xi32>
          %swap3A_259 = arith.constant 64 : index
          %swap3A_260 = tpu.vector_load %arg11[%swap3A_259] {strides = array<i32>} : memref<128xi32, #tpu.memory_space<vmem>>, vector<16xi32>,
          %swap3A_261 = vector.shape_cast %swap3A_260 : vector<16xi32> to vector<16xi32>
          %swap3A_262 = vector.shape_cast %add3A_258 : vector<16xi32> to vector<16xi32>
          tpu.vector_store %arg11[%swap3A_259], %swap3A_262 {strides = array<i32>} : memref<128xi32, #tpu.memory_space<vmem>>, vector<16xi32>,
          %get3A_263 = arith.constant 80 : index
          %get3A_264 = tpu.vector_load %arg10[%get3A_263] {strides = array<i32>} : memref<128xi32, #tpu.memory_space<vmem>>, vector<16xi32>,
          %get3A_265 = vector.shape_cast %get3A_264 : vector<16xi32> to vector<16xi32>
          %ge3A_266 = vector.broadcast %mul3A_146 : i32 to vector<16xi32>
          %ge3A_267 = arith.cmpi sge, %get3A_265, %ge3A_266 : vector<16xi32>
          %add3A_268 = arith.constant 512 : i32
          %add3A_269 = arith.addi %mul3A_146, %add3A_268 : i32
          %lt3A_270 = vector.broadcast %add3A_269 : i32 to vector<16xi32>
          %lt3A_271 = arith.cmpi slt, %get3A_265, %lt3A_270 : vector<16xi32>
          %and3A_272 = arith.andi %ge3A_267, %lt3A_271 : vector<16xi1>
          %sub3A_273 = vector.broadcast %mul3A_146 : i32 to vector<16xi32>
          %sub3A_274 = arith.subi %get3A_265, %sub3A_273 : vector<16xi32>
          %jit3A_275 = arith.constant 512 : i32
          %broadcast_in_dim3A_276 = vector.broadcast %jit3A_275 : i32 to vector<16xi32>
          %select_n3A_277 = arith.select %and3A_272, %sub3A_274, %broadcast_in_dim3A_276 : vector<16xi1>, vector<16xi32>
          %add3A_278 = vector.broadcast %mul3A_2 : i32 to vector<16xi32>
          %add3A_279 = arith.addi %select_n3A_277, %add3A_278 : vector<16xi32>
          %swap3A_280 = arith.constant 80 : index
          %swap3A_281 = tpu.vector_load %arg11[%swap3A_280] {strides = array<i32>} : memref<128xi32, #tpu.memory_space<vmem>>, vector<16xi32>,
          %swap3A_282 = vector.shape_cast %swap3A_281 : vector<16xi32> to vector<16xi32>
          %swap3A_283 = vector.shape_cast %add3A_279 : vector<16xi32> to vector<16xi32>
          tpu.vector_store %arg11[%swap3A_280], %swap3A_283 {strides = array<i32>} : memref<128xi32, #tpu.memory_space<vmem>>, vector<16xi32>,
          %get3A_284 = arith.constant 96 : index
          %get3A_285 = tpu.vector_load %arg10[%get3A_284] {strides = array<i32>} : memref<128xi32, #tpu.memory_space<vmem>>, vector<16xi32>,
          %get3A_286 = vector.shape_cast %get3A_285 : vector<16xi32> to vector<16xi32>
          %ge3A_287 = vector.broadcast %mul3A_146 : i32 to vector<16xi32>
          %ge3A_288 = arith.cmpi sge, %get3A_286, %ge3A_287 : vector<16xi32>
          %add3A_289 = arith.constant 512 : i32
          %add3A_290 = arith.addi %mul3A_146, %add3A_289 : i32
          %lt3A_291 = vector.broadcast %add3A_290 : i32 to vector<16xi32>
          %lt3A_292 = arith.cmpi slt, %get3A_286, %lt3A_291 : vector<16xi32>
          %and3A_293 = arith.andi %ge3A_288, %lt3A_292 : vector<16xi1>
          %sub3A_294 = vector.broadcast %mul3A_146 : i32 to vector<16xi32>
          %sub3A_295 = arith.subi %get3A_286, %sub3A_294 : vector<16xi32>
          %jit3A_296 = arith.constant 512 : i32
          %broadcast_in_dim3A_297 = vector.broadcast %jit3A_296 : i32 to vector<16xi32>
          %select_n3A_298 = arith.select %and3A_293, %sub3A_295, %broadcast_in_dim3A_297 : vector<16xi1>, vector<16xi32>
          %add3A_299 = vector.broadcast %mul3A_2 : i32 to vector<16xi32>
          %add3A_300 = arith.addi %select_n3A_298, %add3A_299 : vector<16xi32>
          %swap3A_301 = arith.constant 96 : index
          %swap3A_302 = tpu.vector_load %arg11[%swap3A_301] {strides = array<i32>} : memref<128xi32, #tpu.memory_space<vmem>>, vector<16xi32>,
          %swap3A_303 = vector.shape_cast %swap3A_302 : vector<16xi32> to vector<16xi32>
          %swap3A_304 = vector.shape_cast %add3A_300 : vector<16xi32> to vector<16xi32>
          tpu.vector_store %arg11[%swap3A_301], %swap3A_304 {strides = array<i32>} : memref<128xi32, #tpu.memory_space<vmem>>, vector<16xi32>,
          %get3A_305 = arith.constant 112 : index
          %get3A_306 = tpu.vector_load %arg10[%get3A_305] {strides = array<i32>} : memref<128xi32, #tpu.memory_space<vmem>>, vector<16xi32>,
          %get3A_307 = vector.shape_cast %get3A_306 : vector<16xi32> to vector<16xi32>
          %ge3A_308 = vector.broadcast %mul3A_146 : i32 to vector<16xi32>
          %ge3A_309 = arith.cmpi sge, %get3A_307, %ge3A_308 : vector<16xi32>
          %add3A_310 = arith.constant 512 : i32
          %add3A_311 = arith.addi %mul3A_146, %add3A_310 : i32
          %lt3A_312 = vector.broadcast %add3A_311 : i32 to vector<16xi32>
          %lt3A_313 = arith.cmpi slt, %get3A_307, %lt3A_312 : vector<16xi32>
          %and3A_314 = arith.andi %ge3A_309, %lt3A_313 : vector<16xi1>
          %sub3A_315 = vector.broadcast %mul3A_146 : i32 to vector<16xi32>
          %sub3A_316 = arith.subi %get3A_307, %sub3A_315 : vector<16xi32>
          %jit3A_317 = arith.constant 512 : i32
          %broadcast_in_dim3A_318 = vector.broadcast %jit3A_317 : i32 to vector<16xi32>
          %select_n3A_319 = arith.select %and3A_314, %sub3A_316, %broadcast_in_dim3A_318 : vector<16xi1>, vector<16xi32>
          %add3A_320 = vector.broadcast %mul3A_2 : i32 to vector<16xi32>
          %add3A_321 = arith.addi %select_n3A_319, %add3A_320 : vector<16xi32>
          %swap3A_322 = arith.constant 112 : index
          %swap3A_323 = tpu.vector_load %arg11[%swap3A_322] {strides = array<i32>} : memref<128xi32, #tpu.memory_space<vmem>>, vector<16xi32>,
          %swap3A_324 = vector.shape_cast %swap3A_323 : vector<16xi32> to vector<16xi32>
          %swap3A_325 = vector.shape_cast %add3A_321 : vector<16xi32> to vector<16xi32>
          tpu.vector_store %arg11[%swap3A_322], %swap3A_325 {strides = array<i32>} : memref<128xi32, #tpu.memory_space<vmem>>, vector<16xi32>,
          %dma_start3A = arith.constant 0 : i32
          %dma_start3A_326 = arith.constant 0 : i32
          %dma_start3A_327 = tpu.memref_slice %arg2[%dma_start3A, %dma_start3A_326] : memref<100000x64xf32, #tpu.memory_space<hbm>> -> memref<100000x64xf32, #tpu.memory_space<hbm>>
          tpu.enqueue_indirect_dma source(%dma_start3A_327 : memref<100000x64xf32, #tpu.memory_space<hbm>>) target(%arg12 : memref<128x64xf32, #tpu.memory_space<vmem>>) offsets(%arg9 : memref<128xi32, #tpu.memory_space<vmem>>) semaphore(%arg14 : memref<!tpu.dma_semaphore, #tpu.memory_space<semaphore_mem>>)
          %dma_wait3A = arith.constant 0 : i32
          %dma_wait3A_328 = arith.constant 0 : i32
          %dma_wait3A_329 = tpu.memref_slice %arg2[%dma_wait3A, %dma_wait3A_328] : memref<100000x64xf32, #tpu.memory_space<hbm>> -> memref<100000x64xf32, #tpu.memory_space<hbm>>
          tpu.wait_indirect_dma semaphore(%arg14 : memref<!tpu.dma_semaphore, #tpu.memory_space<semaphore_mem>>) src(%dma_wait3A_329 : memref<100000x64xf32, #tpu.memory_space<hbm>>) dst(%arg12 : memref<128x64xf32, #tpu.memory_space<vmem>>)
          "tpu.region"() ({
            %run_scoped3A = tpu.sem_alloc : memref<!tpu.dma_semaphore, #tpu.memory_space<semaphore_mem>>
            %dma_start3A_330 = arith.constant 0 : i32
            %dma_start3A_331 = arith.constant 0 : i32
            %dma_start3A_332 = tpu.memref_slice %arg13[%dma_start3A_330, %dma_start3A_331] : memref<8320x64xf32, #tpu.memory_space<vmem_shared>> -> memref<8320x64xf32, #tpu.memory_space<vmem_shared>>
            tpu.enqueue_indirect_dma source(%arg12 : memref<128x64xf32, #tpu.memory_space<vmem>>) target(%dma_start3A_332 : memref<8320x64xf32, #tpu.memory_space<vmem_shared>>) offsets(%arg11 : memref<128xi32, #tpu.memory_space<vmem>>) semaphore(%run_scoped3A : memref<!tpu.dma_semaphore, #tpu.memory_space<semaphore_mem>>) {add = true}
            %dma_wait3A_333 = arith.constant 0 : i32
            %dma_wait3A_334 = arith.constant 0 : i32
            %dma_wait3A_335 = tpu.memref_slice %arg13[%dma_wait3A_333, %dma_wait3A_334] : memref<8320x64xf32, #tpu.memory_space<vmem_shared>> -> memref<8320x64xf32, #tpu.memory_space<vmem_shared>>
            tpu.wait_indirect_dma semaphore(%run_scoped3A : memref<!tpu.dma_semaphore, #tpu.memory_space<semaphore_mem>>) src(%arg12 : memref<128x64xf32, #tpu.memory_space<vmem>>) dst(%dma_wait3A_335 : memref<8320x64xf32, #tpu.memory_space<vmem_shared>>)
            tpu.yield
          }) : () -> ()
        }
        %while3A_155 = arith.constant 1 : i32
        scf.for %while3A_156 = %while3A_153 to %while3A_149 step %while3A_155  : i32 {
          %mul3A_157 = arith.constant 128 : i32
          %mul3A_158 = arith.muli %while3A_156, %mul3A_157 : i32
          %add3A_159 = arith.addi %and3A_117, %mul3A_158 : i32
          %multiple_of3A_160 = tpu.assume_multiple %add3A_159, 8 : i32
          "tpu.region"() ({
            %run_scoped3A = tpu.sem_alloc : memref<!tpu.dma_semaphore, #tpu.memory_space<semaphore_mem>>
            %dma_start3A_330 = tpu.memref_slice %arg3[%multiple_of3A_160] : memref<500128xi32, #tpu.memory_space<hbm>> -> memref<128xi32, #tpu.memory_space<hbm>>
            %dma_start3A_331 = tpu.memref_slice %arg3[%multiple_of3A_160] : memref<500128xi32, #tpu.memory_space<hbm>> -> memref<128xi32, #tpu.memory_space<hbm>>
            tpu.enqueue_dma source(%dma_start3A_331 : memref<128xi32, #tpu.memory_space<hbm>>) target(%arg9 : memref<128xi32, #tpu.memory_space<vmem>>) target_semaphore(%run_scoped3A : memref<!tpu.dma_semaphore, #tpu.memory_space<semaphore_mem>>)
            %dma_wait3A_332 = tpu.memref_slice %arg3[%multiple_of3A_160] : memref<500128xi32, #tpu.memory_space<hbm>> -> memref<128xi32, #tpu.memory_space<hbm>>
            %dma_wait3A_333 = tpu.memref_slice %arg3[%multiple_of3A_160] : memref<500128xi32, #tpu.memory_space<hbm>> -> memref<128xi32, #tpu.memory_space<hbm>>
            tpu.wait_dma2 semaphore(%run_scoped3A : memref<!tpu.dma_semaphore, #tpu.memory_space<semaphore_mem>>) src(%dma_wait3A_333 : memref<128xi32, #tpu.memory_space<hbm>>) dst(%arg9 : memref<128xi32, #tpu.memory_space<vmem>>)
            tpu.yield
          }) : () -> ()
          "tpu.region"() ({
            %run_scoped3A = tpu.sem_alloc : memref<!tpu.dma_semaphore, #tpu.memory_space<semaphore_mem>>
            %dma_start3A_330 = tpu.memref_slice %arg4[%multiple_of3A_160] : memref<500128xi32, #tpu.memory_space<hbm>> -> memref<128xi32, #tpu.memory_space<hbm>>
            %dma_start3A_331 = tpu.memref_slice %arg4[%multiple_of3A_160] : memref<500128xi32, #tpu.memory_space<hbm>> -> memref<128xi32, #tpu.memory_space<hbm>>
            tpu.enqueue_dma source(%dma_start3A_331 : memref<128xi32, #tpu.memory_space<hbm>>) target(%arg10 : memref<128xi32, #tpu.memory_space<vmem>>) target_semaphore(%run_scoped3A : memref<!tpu.dma_semaphore, #tpu.memory_space<semaphore_mem>>)
            %dma_wait3A_332 = tpu.memref_slice %arg4[%multiple_of3A_160] : memref<500128xi32, #tpu.memory_space<hbm>> -> memref<128xi32, #tpu.memory_space<hbm>>
            %dma_wait3A_333 = tpu.memref_slice %arg4[%multiple_of3A_160] : memref<500128xi32, #tpu.memory_space<hbm>> -> memref<128xi32, #tpu.memory_space<hbm>>
            tpu.wait_dma2 semaphore(%run_scoped3A : memref<!tpu.dma_semaphore, #tpu.memory_space<semaphore_mem>>) src(%dma_wait3A_333 : memref<128xi32, #tpu.memory_space<hbm>>) dst(%arg10 : memref<128xi32, #tpu.memory_space<vmem>>)
            tpu.yield
          }) : () -> ()
          %get3A_161 = arith.constant 0 : index
          %get3A_162 = tpu.vector_load %arg10[%get3A_161] {strides = array<i32>} : memref<128xi32, #tpu.memory_space<vmem>>, vector<16xi32>,
          %get3A_163 = vector.shape_cast %get3A_162 : vector<16xi32> to vector<16xi32>
          %ge3A = vector.broadcast %mul3A_146 : i32 to vector<16xi32>
          %ge3A_164 = arith.cmpi sge, %get3A_163, %ge3A : vector<16xi32>
          %add3A_165 = arith.constant 512 : i32
          %add3A_166 = arith.addi %mul3A_146, %add3A_165 : i32
          %lt3A_167 = vector.broadcast %add3A_166 : i32 to vector<16xi32>
          %lt3A_168 = arith.cmpi slt, %get3A_163, %lt3A_167 : vector<16xi32>
          %and3A_169 = arith.andi %ge3A_164, %lt3A_168 : vector<16xi1>
          %sub3A_170 = vector.broadcast %mul3A_146 : i32 to vector<16xi32>
          %sub3A_171 = arith.subi %get3A_163, %sub3A_170 : vector<16xi32>
          %jit3A_172 = arith.constant 512 : i32
          %broadcast_in_dim3A = vector.broadcast %jit3A_172 : i32 to vector<16xi32>
          %select_n3A_173 = arith.select %and3A_169, %sub3A_171, %broadcast_in_dim3A : vector<16xi1>, vector<16xi32>
          %add3A_174 = vector.broadcast %mul3A_2 : i32 to vector<16xi32>
          %add3A_175 = arith.addi %select_n3A_173, %add3A_174 : vector<16xi32>
          %swap3A = arith.constant 0 : index
          %swap3A_176 = tpu.vector_load %arg11[%swap3A] {strides = array<i32>} : memref<128xi32, #tpu.memory_space<vmem>>, vector<16xi32>,
          %swap3A_177 = vector.shape_cast %swap3A_176 : vector<16xi32> to vector<16xi32>
          %swap3A_178 = vector.shape_cast %add3A_175 : vector<16xi32> to vector<16xi32>
          tpu.vector_store %arg11[%swap3A], %swap3A_178 {strides = array<i32>} : memref<128xi32, #tpu.memory_space<vmem>>, vector<16xi32>,
          %get3A_179 = arith.constant 16 : index
          %get3A_180 = tpu.vector_load %arg10[%get3A_179] {strides = array<i32>} : memref<128xi32, #tpu.memory_space<vmem>>, vector<16xi32>,
          %get3A_181 = vector.shape_cast %get3A_180 : vector<16xi32> to vector<16xi32>
          %ge3A_182 = vector.broadcast %mul3A_146 : i32 to vector<16xi32>
          %ge3A_183 = arith.cmpi sge, %get3A_181, %ge3A_182 : vector<16xi32>
          %add3A_184 = arith.constant 512 : i32
          %add3A_185 = arith.addi %mul3A_146, %add3A_184 : i32
          %lt3A_186 = vector.broadcast %add3A_185 : i32 to vector<16xi32>
          %lt3A_187 = arith.cmpi slt, %get3A_181, %lt3A_186 : vector<16xi32>
          %and3A_188 = arith.andi %ge3A_183, %lt3A_187 : vector<16xi1>
          %sub3A_189 = vector.broadcast %mul3A_146 : i32 to vector<16xi32>
          %sub3A_190 = arith.subi %get3A_181, %sub3A_189 : vector<16xi32>
          %jit3A_191 = arith.constant 512 : i32
          %broadcast_in_dim3A_192 = vector.broadcast %jit3A_191 : i32 to vector<16xi32>
          %select_n3A_193 = arith.select %and3A_188, %sub3A_190, %broadcast_in_dim3A_192 : vector<16xi1>, vector<16xi32>
          %add3A_194 = vector.broadcast %mul3A_2 : i32 to vector<16xi32>
          %add3A_195 = arith.addi %select_n3A_193, %add3A_194 : vector<16xi32>
          %swap3A_196 = arith.constant 16 : index
          %swap3A_197 = tpu.vector_load %arg11[%swap3A_196] {strides = array<i32>} : memref<128xi32, #tpu.memory_space<vmem>>, vector<16xi32>,
          %swap3A_198 = vector.shape_cast %swap3A_197 : vector<16xi32> to vector<16xi32>
          %swap3A_199 = vector.shape_cast %add3A_195 : vector<16xi32> to vector<16xi32>
          tpu.vector_store %arg11[%swap3A_196], %swap3A_199 {strides = array<i32>} : memref<128xi32, #tpu.memory_space<vmem>>, vector<16xi32>,
          %get3A_200 = arith.constant 32 : index
          %get3A_201 = tpu.vector_load %arg10[%get3A_200] {strides = array<i32>} : memref<128xi32, #tpu.memory_space<vmem>>, vector<16xi32>,
          %get3A_202 = vector.shape_cast %get3A_201 : vector<16xi32> to vector<16xi32>
          %ge3A_203 = vector.broadcast %mul3A_146 : i32 to vector<16xi32>
          %ge3A_204 = arith.cmpi sge, %get3A_202, %ge3A_203 : vector<16xi32>
          %add3A_205 = arith.constant 512 : i32
          %add3A_206 = arith.addi %mul3A_146, %add3A_205 : i32
          %lt3A_207 = vector.broadcast %add3A_206 : i32 to vector<16xi32>
          %lt3A_208 = arith.cmpi slt, %get3A_202, %lt3A_207 : vector<16xi32>
          %and3A_209 = arith.andi %ge3A_204, %lt3A_208 : vector<16xi1>
          %sub3A_210 = vector.broadcast %mul3A_146 : i32 to vector<16xi32>
          %sub3A_211 = arith.subi %get3A_202, %sub3A_210 : vector<16xi32>
          %jit3A_212 = arith.constant 512 : i32
          %broadcast_in_dim3A_213 = vector.broadcast %jit3A_212 : i32 to vector<16xi32>
          %select_n3A_214 = arith.select %and3A_209, %sub3A_211, %broadcast_in_dim3A_213 : vector<16xi1>, vector<16xi32>
          %add3A_215 = vector.broadcast %mul3A_2 : i32 to vector<16xi32>
          %add3A_216 = arith.addi %select_n3A_214, %add3A_215 : vector<16xi32>
          %swap3A_217 = arith.constant 32 : index
          %swap3A_218 = tpu.vector_load %arg11[%swap3A_217] {strides = array<i32>} : memref<128xi32, #tpu.memory_space<vmem>>, vector<16xi32>,
          %swap3A_219 = vector.shape_cast %swap3A_218 : vector<16xi32> to vector<16xi32>
          %swap3A_220 = vector.shape_cast %add3A_216 : vector<16xi32> to vector<16xi32>
          tpu.vector_store %arg11[%swap3A_217], %swap3A_220 {strides = array<i32>} : memref<128xi32, #tpu.memory_space<vmem>>, vector<16xi32>,
          %get3A_221 = arith.constant 48 : index
          %get3A_222 = tpu.vector_load %arg10[%get3A_221] {strides = array<i32>} : memref<128xi32, #tpu.memory_space<vmem>>, vector<16xi32>,
          %get3A_223 = vector.shape_cast %get3A_222 : vector<16xi32> to vector<16xi32>
          %ge3A_224 = vector.broadcast %mul3A_146 : i32 to vector<16xi32>
          %ge3A_225 = arith.cmpi sge, %get3A_223, %ge3A_224 : vector<16xi32>
          %add3A_226 = arith.constant 512 : i32
          %add3A_227 = arith.addi %mul3A_146, %add3A_226 : i32
          %lt3A_228 = vector.broadcast %add3A_227 : i32 to vector<16xi32>
          %lt3A_229 = arith.cmpi slt, %get3A_223, %lt3A_228 : vector<16xi32>
          %and3A_230 = arith.andi %ge3A_225, %lt3A_229 : vector<16xi1>
          %sub3A_231 = vector.broadcast %mul3A_146 : i32 to vector<16xi32>
          %sub3A_232 = arith.subi %get3A_223, %sub3A_231 : vector<16xi32>
          %jit3A_233 = arith.constant 512 : i32
          %broadcast_in_dim3A_234 = vector.broadcast %jit3A_233 : i32 to vector<16xi32>
          %select_n3A_235 = arith.select %and3A_230, %sub3A_232, %broadcast_in_dim3A_234 : vector<16xi1>, vector<16xi32>
          %add3A_236 = vector.broadcast %mul3A_2 : i32 to vector<16xi32>
          %add3A_237 = arith.addi %select_n3A_235, %add3A_236 : vector<16xi32>
          %swap3A_238 = arith.constant 48 : index
          %swap3A_239 = tpu.vector_load %arg11[%swap3A_238] {strides = array<i32>} : memref<128xi32, #tpu.memory_space<vmem>>, vector<16xi32>,
          %swap3A_240 = vector.shape_cast %swap3A_239 : vector<16xi32> to vector<16xi32>
          %swap3A_241 = vector.shape_cast %add3A_237 : vector<16xi32> to vector<16xi32>
          tpu.vector_store %arg11[%swap3A_238], %swap3A_241 {strides = array<i32>} : memref<128xi32, #tpu.memory_space<vmem>>, vector<16xi32>,
          %get3A_242 = arith.constant 64 : index
          %get3A_243 = tpu.vector_load %arg10[%get3A_242] {strides = array<i32>} : memref<128xi32, #tpu.memory_space<vmem>>, vector<16xi32>,
          %get3A_244 = vector.shape_cast %get3A_243 : vector<16xi32> to vector<16xi32>
          %ge3A_245 = vector.broadcast %mul3A_146 : i32 to vector<16xi32>
          %ge3A_246 = arith.cmpi sge, %get3A_244, %ge3A_245 : vector<16xi32>
          %add3A_247 = arith.constant 512 : i32
          %add3A_248 = arith.addi %mul3A_146, %add3A_247 : i32
          %lt3A_249 = vector.broadcast %add3A_248 : i32 to vector<16xi32>
          %lt3A_250 = arith.cmpi slt, %get3A_244, %lt3A_249 : vector<16xi32>
          %and3A_251 = arith.andi %ge3A_246, %lt3A_250 : vector<16xi1>
          %sub3A_252 = vector.broadcast %mul3A_146 : i32 to vector<16xi32>
          %sub3A_253 = arith.subi %get3A_244, %sub3A_252 : vector<16xi32>
          %jit3A_254 = arith.constant 512 : i32
          %broadcast_in_dim3A_255 = vector.broadcast %jit3A_254 : i32 to vector<16xi32>
          %select_n3A_256 = arith.select %and3A_251, %sub3A_253, %broadcast_in_dim3A_255 : vector<16xi1>, vector<16xi32>
          %add3A_257 = vector.broadcast %mul3A_2 : i32 to vector<16xi32>
          %add3A_258 = arith.addi %select_n3A_256, %add3A_257 : vector<16xi32>
          %swap3A_259 = arith.constant 64 : index
          %swap3A_260 = tpu.vector_load %arg11[%swap3A_259] {strides = array<i32>} : memref<128xi32, #tpu.memory_space<vmem>>, vector<16xi32>,
          %swap3A_261 = vector.shape_cast %swap3A_260 : vector<16xi32> to vector<16xi32>
          %swap3A_262 = vector.shape_cast %add3A_258 : vector<16xi32> to vector<16xi32>
          tpu.vector_store %arg11[%swap3A_259], %swap3A_262 {strides = array<i32>} : memref<128xi32, #tpu.memory_space<vmem>>, vector<16xi32>,
          %get3A_263 = arith.constant 80 : index
          %get3A_264 = tpu.vector_load %arg10[%get3A_263] {strides = array<i32>} : memref<128xi32, #tpu.memory_space<vmem>>, vector<16xi32>,
          %get3A_265 = vector.shape_cast %get3A_264 : vector<16xi32> to vector<16xi32>
          %ge3A_266 = vector.broadcast %mul3A_146 : i32 to vector<16xi32>
          %ge3A_267 = arith.cmpi sge, %get3A_265, %ge3A_266 : vector<16xi32>
          %add3A_268 = arith.constant 512 : i32
          %add3A_269 = arith.addi %mul3A_146, %add3A_268 : i32
          %lt3A_270 = vector.broadcast %add3A_269 : i32 to vector<16xi32>
          %lt3A_271 = arith.cmpi slt, %get3A_265, %lt3A_270 : vector<16xi32>
          %and3A_272 = arith.andi %ge3A_267, %lt3A_271 : vector<16xi1>
          %sub3A_273 = vector.broadcast %mul3A_146 : i32 to vector<16xi32>
          %sub3A_274 = arith.subi %get3A_265, %sub3A_273 : vector<16xi32>
          %jit3A_275 = arith.constant 512 : i32
          %broadcast_in_dim3A_276 = vector.broadcast %jit3A_275 : i32 to vector<16xi32>
          %select_n3A_277 = arith.select %and3A_272, %sub3A_274, %broadcast_in_dim3A_276 : vector<16xi1>, vector<16xi32>
          %add3A_278 = vector.broadcast %mul3A_2 : i32 to vector<16xi32>
          %add3A_279 = arith.addi %select_n3A_277, %add3A_278 : vector<16xi32>
          %swap3A_280 = arith.constant 80 : index
          %swap3A_281 = tpu.vector_load %arg11[%swap3A_280] {strides = array<i32>} : memref<128xi32, #tpu.memory_space<vmem>>, vector<16xi32>,
          %swap3A_282 = vector.shape_cast %swap3A_281 : vector<16xi32> to vector<16xi32>
          %swap3A_283 = vector.shape_cast %add3A_279 : vector<16xi32> to vector<16xi32>
          tpu.vector_store %arg11[%swap3A_280], %swap3A_283 {strides = array<i32>} : memref<128xi32, #tpu.memory_space<vmem>>, vector<16xi32>,
          %get3A_284 = arith.constant 96 : index
          %get3A_285 = tpu.vector_load %arg10[%get3A_284] {strides = array<i32>} : memref<128xi32, #tpu.memory_space<vmem>>, vector<16xi32>,
          %get3A_286 = vector.shape_cast %get3A_285 : vector<16xi32> to vector<16xi32>
          %ge3A_287 = vector.broadcast %mul3A_146 : i32 to vector<16xi32>
          %ge3A_288 = arith.cmpi sge, %get3A_286, %ge3A_287 : vector<16xi32>
          %add3A_289 = arith.constant 512 : i32
          %add3A_290 = arith.addi %mul3A_146, %add3A_289 : i32
          %lt3A_291 = vector.broadcast %add3A_290 : i32 to vector<16xi32>
          %lt3A_292 = arith.cmpi slt, %get3A_286, %lt3A_291 : vector<16xi32>
          %and3A_293 = arith.andi %ge3A_288, %lt3A_292 : vector<16xi1>
          %sub3A_294 = vector.broadcast %mul3A_146 : i32 to vector<16xi32>
          %sub3A_295 = arith.subi %get3A_286, %sub3A_294 : vector<16xi32>
          %jit3A_296 = arith.constant 512 : i32
          %broadcast_in_dim3A_297 = vector.broadcast %jit3A_296 : i32 to vector<16xi32>
          %select_n3A_298 = arith.select %and3A_293, %sub3A_295, %broadcast_in_dim3A_297 : vector<16xi1>, vector<16xi32>
          %add3A_299 = vector.broadcast %mul3A_2 : i32 to vector<16xi32>
          %add3A_300 = arith.addi %select_n3A_298, %add3A_299 : vector<16xi32>
          %swap3A_301 = arith.constant 96 : index
          %swap3A_302 = tpu.vector_load %arg11[%swap3A_301] {strides = array<i32>} : memref<128xi32, #tpu.memory_space<vmem>>, vector<16xi32>,
          %swap3A_303 = vector.shape_cast %swap3A_302 : vector<16xi32> to vector<16xi32>
          %swap3A_304 = vector.shape_cast %add3A_300 : vector<16xi32> to vector<16xi32>
          tpu.vector_store %arg11[%swap3A_301], %swap3A_304 {strides = array<i32>} : memref<128xi32, #tpu.memory_space<vmem>>, vector<16xi32>,
          %get3A_305 = arith.constant 112 : index
          %get3A_306 = tpu.vector_load %arg10[%get3A_305] {strides = array<i32>} : memref<128xi32, #tpu.memory_space<vmem>>, vector<16xi32>,
          %get3A_307 = vector.shape_cast %get3A_306 : vector<16xi32> to vector<16xi32>
          %ge3A_308 = vector.broadcast %mul3A_146 : i32 to vector<16xi32>
          %ge3A_309 = arith.cmpi sge, %get3A_307, %ge3A_308 : vector<16xi32>
          %add3A_310 = arith.constant 512 : i32
          %add3A_311 = arith.addi %mul3A_146, %add3A_310 : i32
          %lt3A_312 = vector.broadcast %add3A_311 : i32 to vector<16xi32>
          %lt3A_313 = arith.cmpi slt, %get3A_307, %lt3A_312 : vector<16xi32>
          %and3A_314 = arith.andi %ge3A_309, %lt3A_313 : vector<16xi1>
          %sub3A_315 = vector.broadcast %mul3A_146 : i32 to vector<16xi32>
          %sub3A_316 = arith.subi %get3A_307, %sub3A_315 : vector<16xi32>
          %jit3A_317 = arith.constant 512 : i32
          %broadcast_in_dim3A_318 = vector.broadcast %jit3A_317 : i32 to vector<16xi32>
          %select_n3A_319 = arith.select %and3A_314, %sub3A_316, %broadcast_in_dim3A_318 : vector<16xi1>, vector<16xi32>
          %add3A_320 = vector.broadcast %mul3A_2 : i32 to vector<16xi32>
          %add3A_321 = arith.addi %select_n3A_319, %add3A_320 : vector<16xi32>
          %swap3A_322 = arith.constant 112 : index
          %swap3A_323 = tpu.vector_load %arg11[%swap3A_322] {strides = array<i32>} : memref<128xi32, #tpu.memory_space<vmem>>, vector<16xi32>,
          %swap3A_324 = vector.shape_cast %swap3A_323 : vector<16xi32> to vector<16xi32>
          %swap3A_325 = vector.shape_cast %add3A_321 : vector<16xi32> to vector<16xi32>
          tpu.vector_store %arg11[%swap3A_322], %swap3A_325 {strides = array<i32>} : memref<128xi32, #tpu.memory_space<vmem>>, vector<16xi32>,
          %dma_start3A = arith.constant 0 : i32
          %dma_start3A_326 = arith.constant 0 : i32
          %dma_start3A_327 = tpu.memref_slice %arg2[%dma_start3A, %dma_start3A_326] : memref<100000x64xf32, #tpu.memory_space<hbm>> -> memref<100000x64xf32, #tpu.memory_space<hbm>>
          tpu.enqueue_indirect_dma source(%dma_start3A_327 : memref<100000x64xf32, #tpu.memory_space<hbm>>) target(%arg12 : memref<128x64xf32, #tpu.memory_space<vmem>>) offsets(%arg9 : memref<128xi32, #tpu.memory_space<vmem>>) semaphore(%arg14 : memref<!tpu.dma_semaphore, #tpu.memory_space<semaphore_mem>>)
          %dma_wait3A = arith.constant 0 : i32
          %dma_wait3A_328 = arith.constant 0 : i32
          %dma_wait3A_329 = tpu.memref_slice %arg2[%dma_wait3A, %dma_wait3A_328] : memref<100000x64xf32, #tpu.memory_space<hbm>> -> memref<100000x64xf32, #tpu.memory_space<hbm>>
          tpu.wait_indirect_dma semaphore(%arg14 : memref<!tpu.dma_semaphore, #tpu.memory_space<semaphore_mem>>) src(%dma_wait3A_329 : memref<100000x64xf32, #tpu.memory_space<hbm>>) dst(%arg12 : memref<128x64xf32, #tpu.memory_space<vmem>>)
          "tpu.region"() ({
            %run_scoped3A = tpu.sem_alloc : memref<!tpu.dma_semaphore, #tpu.memory_space<semaphore_mem>>
            %dma_start3A_330 = arith.constant 0 : i32
            %dma_start3A_331 = arith.constant 0 : i32
            %dma_start3A_332 = tpu.memref_slice %arg13[%dma_start3A_330, %dma_start3A_331] : memref<8320x64xf32, #tpu.memory_space<vmem_shared>> -> memref<8320x64xf32, #tpu.memory_space<vmem_shared>>
            tpu.enqueue_indirect_dma source(%arg12 : memref<128x64xf32, #tpu.memory_space<vmem>>) target(%dma_start3A_332 : memref<8320x64xf32, #tpu.memory_space<vmem_shared>>) offsets(%arg11 : memref<128xi32, #tpu.memory_space<vmem>>) semaphore(%run_scoped3A : memref<!tpu.dma_semaphore, #tpu.memory_space<semaphore_mem>>) {add = true}
            %dma_wait3A_333 = arith.constant 0 : i32
            %dma_wait3A_334 = arith.constant 0 : i32
            %dma_wait3A_335 = tpu.memref_slice %arg13[%dma_wait3A_333, %dma_wait3A_334] : memref<8320x64xf32, #tpu.memory_space<vmem_shared>> -> memref<8320x64xf32, #tpu.memory_space<vmem_shared>>
            tpu.wait_indirect_dma semaphore(%run_scoped3A : memref<!tpu.dma_semaphore, #tpu.memory_space<semaphore_mem>>) src(%arg12 : memref<128x64xf32, #tpu.memory_space<vmem>>) dst(%dma_wait3A_335 : memref<8320x64xf32, #tpu.memory_space<vmem_shared>>)
            tpu.yield
          }) : () -> ()
        }
        "tpu.region"() ({
          %run_scoped3A = tpu.sem_alloc : memref<!tpu.dma_semaphore, #tpu.memory_space<semaphore_mem>>
          %dma_start3A = arith.constant 0 : i32
          %dma_start3A_156 = tpu.memref_slice %arg7[%mul3A_146, %dma_start3A] : memref<100352x64xf32, #tpu.memory_space<hbm>> -> memref<512x64xf32, #tpu.memory_space<hbm>>
          %dma_start3A_157 = arith.constant 0 : i32
          %dma_start3A_158 = tpu.memref_slice %arg13[%mul3A_2, %dma_start3A_157] : memref<8320x64xf32, #tpu.memory_space<vmem_shared>> -> memref<512x64xf32, #tpu.memory_space<vmem_shared>>
          tpu.enqueue_dma source(%dma_start3A_158 : memref<512x64xf32, #tpu.memory_space<vmem_shared>>) target(%dma_start3A_156 : memref<512x64xf32, #tpu.memory_space<hbm>>) target_semaphore(%run_scoped3A : memref<!tpu.dma_semaphore, #tpu.memory_space<semaphore_mem>>)
          %dma_wait3A = arith.constant 0 : i32
          %dma_wait3A_159 = tpu.memref_slice %arg7[%mul3A_146, %dma_wait3A] : memref<100352x64xf32, #tpu.memory_space<hbm>> -> memref<512x64xf32, #tpu.memory_space<hbm>>
          %dma_wait3A_160 = arith.constant 0 : i32
          %dma_wait3A_161 = tpu.memref_slice %arg13[%mul3A_2, %dma_wait3A_160] : memref<8320x64xf32, #tpu.memory_space<vmem_shared>> -> memref<512x64xf32, #tpu.memory_space<vmem_shared>>
          tpu.wait_dma2 semaphore(%run_scoped3A : memref<!tpu.dma_semaphore, #tpu.memory_space<semaphore_mem>>) src(%dma_wait3A_161 : memref<512x64xf32, #tpu.memory_space<vmem_shared>>) dst(%dma_wait3A_159 : memref<512x64xf32, #tpu.memory_space<hbm>>)
          tpu.yield
        }) : () -> ()
      } else {
      }
    }
    %scan3A_7 = arith.constant 7 : i32
    return
  }
}

</mosaic_0001>

<sc_bundles>
// kernel: kernel.3.cloned.1.call-start
scs
__scs_entry_jumppad:
0x0: {  	(pc) =	sbr.rel $0x88, $3  }
0x1: {  	(tag) =	ssettag $0x0;
	lr =	simm.s32 $0x1  }
0x2: {  	[smem:$0x3F9E] =	sst lr;
	_ =	strace $0xD0000000  }
0x3: {  	_ = 	snop  }
0x4: {  	_ = 	snop  }
0x5: {  	_ = 	snop  }
0x6: {  	_ = 	snop  }
0x7: {  	_ = 	snop  }
__scs_overlays_trampoline_lowered:
0x8: {  	[smem:$0x3FAD] =	sst s0  }
0x9: {  	[smem:$0x3FAE] =	sst s1  }
0xa: {  	[smem:$0x3FAF] =	sst s2  }
0xb: {  	[smem:$0x3FB0] =	sst s3  }
0xc: {  	[smem:$0x3FB1] =	sst s4  }
0xd: {  	[smem:$0x3FB2] =	sst s5  }
0xe: {  	[smem:$0x3FB3] =	sst s6  }
0xf: {  	[smem:$0x3FB4] =	sst s7  }
0x10: {  	[smem:$0x3FB5] =	sst s8  }
0x11: {  	[smem:$0x3FB6] =	sst s9;
	s0 =	simm.s32 @!p0 $0x0  }
0x12: {  	s1 =	sld [smem:$0x3F9C];
	s0 =	simm.s32 @p0 $0x1  }
0x13: {  	[smem:$0x3FB7] =	sst s0;
	s0 =	simm.s32 @!p1 $0x0  }
0x14: {  	s2 =	sld [smem:$0x3F9B];
	s0 =	simm.s32 @p1 $0x1  }
0x15: {  	[smem:$0x3FB8] =	sst s0;
	s0 =	simm.s32 @!p2 $0x0  }
0x16: {  	s3 =	sld [smem:$0x3FDB];
	s0 =	simm.s32 @p2 $0x1  }
0x17: {  	s4 =	simm.s32 $0x1BF5;
	[smem:$0x3FBA] =	sst s0  }
0x18: {  	s0 =	sld [smem:$0x3F9D];
	_ =	swait.ge [sflag:s4], $0x0  }
0x19: {  	s7 =	sld [smem:$0x3F9E]  }
0x1a: {  	s8 =	sadd.s32 $0xFFFFE003, lr  }
0x1b: {  	s9 =	sadd.s32 $0xFFFFFEF7, lr;
	s5 =	simm.s32 $0xFFFFFFFF;
	p2 =	slt.u32 s8, $0xFFFFF086  }
0x1c: {  	p1 =	slt.u32 s9, $0xF7A;
	s5 =	simm.s32 @!p2 $0x0  }
0x1d: {  	s5 =	simm.s32 @p1 $0x1;
	p0 =	seq.s32 s7, s2  }
0x1e: {  	s7 =	smul.u32 @!p0 $0xF7A, s2;
	p2 =	seq.s32 @!p0 s5, $0x0  }
0x1f: {  	s9 =	smul.u32 $0xF7A, s1;
	s8 =	simm.s32 @!p0 $0x1BF5;
	p2 =	por !p2, p0  }
0x20: {  	[sflag:s8] =	ssyncset.s32 @!p0 $0xFFFFF086;
	s6 =	sadd.s32 @!p0 s3, s7;
	s7 =	simm.s32 @!p0 $0x108  }
0x21: {  	s3 =	sadd.s32 s3, s9;
	s6 =	sadd.s32 @!p0 $0x88, s6;
	s7 =	simm.s32 @p2 $0x1082  }
0x22: {  	[simem:s7], [sflag:s8] =	dma.local @!p0 [hbm:s6], $0xF7A  }
0x23: {  	s9 =	sor.u32 $0xD0000000, s2;
	s6 =	simm.s32 $0x108;
	_ =	swait.ge @!p0 [sflag:s8], $0x0  }
0x24: {  	s3 =	sadd.s32 $0x88, s3;
	s6 =	simm.s32 @!p1 $0x1082;
	[sflag:s4] =	ssyncset.s32 $0xFFFFF086  }
0x25: {  	[simem:s6], [sflag:s4] =	dma.local [hbm:s3], $0xF7A  }
0x26: {  	[smem:$0x3F9E] =	sst s1;
	(tag) =	ssettag s2;
	_ =	strace s9  }
0x27: {  	s1 =	sld [smem:$0x3FAE]  }
0x28: {  	s2 =	sld [smem:$0x3FAF]  }
0x29: {  	s4 =	sld [smem:$0x3FB1]  }
0x2a: {  	p0 =	seq.s32 s5, $0x0;
	s5 =	sld [smem:$0x3FB2]  }
0x2b: {  	s6 =	sld [smem:$0x3FB3]  }
0x2c: {  	s7 =	sld [smem:$0x3FB4]  }
0x2d: {  	s3 =	simm.s32 $0x108;
	s8 =	sld [smem:$0x3FB5]  }
0x2e: {  	s3 =	simm.s32 @!p0 $0x1082;
	s9 =	sld [smem:$0x3FB6]  }
0x2f: {  	lr =	sadd.s32 s0, s3;
	s0 =	sld [smem:$0x3FAD]  }
0x30: {  	s3 =	sld [smem:$0x3FB0]  }
0x31: {  	[smem:$0x3FB9] =	sst s10  }
0x32: {  	s10 =	sld [smem:$0x3FB7];
	_ =	sdelay $0x3  }
0x33: {  	p0 =	seq.s32 s10, $0x1;
	s10 =	sld [smem:$0x3FB9];
	_ =	sdelay $0x3  }
0x34: {  	[smem:$0x3FB9] =	sst s10  }
0x35: {  	s10 =	sld [smem:$0x3FB8];
	_ =	sdelay $0x3  }
0x36: {  	p1 =	seq.s32 s10, $0x1;
	s10 =	sld [smem:$0x3FB9];
	_ =	sdelay $0x3  }
0x37: {  	[smem:$0x3FB9] =	sst s10  }
0x38: {  	s10 =	sld [smem:$0x3FBA]  }
0x39: {  	_ = 	snop;
	(pc) =	sbr.ind lr, $3  }
0x3a: {  	_ = 	snop  }
0x3b: {  	_ = 	snop  }
0x3c: {  	p2 =	seq.s32 s10, $0x1;
	s10 =	sld [smem:$0x3FB9]  }
0x3d: {  	_ =	shalt  }
0x3e: {  	_ =	shalt  }
0x3f: {  	_ =	shalt  }
0x40: {  	_ =	shalt  }
0x41: {  	_ =	shalt  }
0x42: {  	_ =	shalt  }
0x43: {  	_ =	shalt  }
0x44: {  	_ =	shalt  }
0x45: {  	_ =	shalt  }
0x46: {  	_ =	shalt  }
0x47: {  	_ =	shalt  }
0x48: {  	_ =	shalt  }
0x49: {  	_ =	shalt  }
0x4a: {  	_ =	shalt  }
0x4b: {  	_ =	shalt  }
0x4c: {  	_ =	shalt  }
0x4d: {  	_ =	shalt  }
0x4e: {  	_ =	shalt  }
0x4f: {  	_ =	shalt  }
0x50: {  	_ =	shalt  }
0x51: {  	_ =	shalt  }
0x52: {  	_ =	shalt  }
0x53: {  	_ =	shalt  }
0x54: {  	_ =	shalt  }
0x55: {  	_ =	shalt  }
0x56: {  	_ =	shalt  }
0x57: {  	_ =	shalt  }
0x58: {  	_ =	shalt  }
0x59: {  	_ =	shalt  }
0x5a: {  	_ =	shalt  }
0x5b: {  	_ =	shalt  }
0x5c: {  	_ =	shalt  }
0x5d: {  	_ =	shalt  }
0x5e: {  	_ =	shalt  }
0x5f: {  	_ =	shalt  }
0x60: {  	_ =	shalt  }
0x61: {  	_ =	shalt  }
0x62: {  	_ =	shalt  }
0x63: {  	_ =	shalt  }
0x64: {  	_ =	shalt  }
0x65: {  	_ =	shalt  }
0x66: {  	_ =	shalt  }
0x67: {  	_ =	shalt  }
0x68: {  	_ =	shalt  }
0x69: {  	_ =	shalt  }
0x6a: {  	_ =	shalt  }
0x6b: {  	_ =	shalt  }
0x6c: {  	_ =	shalt  }
0x6d: {  	_ =	shalt  }
0x6e: {  	_ =	shalt  }
0x6f: {  	_ =	shalt  }
0x70: {  	_ =	shalt  }
0x71: {  	_ =	shalt  }
0x72: {  	_ =	shalt  }
0x73: {  	_ =	shalt  }
0x74: {  	_ =	shalt  }
0x75: {  	_ =	shalt  }
0x76: {  	_ =	shalt  }
0x77: {  	_ =	shalt  }
0x78: {  	_ =	shalt  }
0x79: {  	_ =	shalt  }
0x7a: {  	_ =	shalt  }
0x7b: {  	_ =	shalt  }
0x7c: {  	_ =	shalt  }
0x7d: {  	_ =	shalt  }
0x7e: {  	_ =	shalt  }
0x7f: {  	_ =	shalt  }
0x80: {  	_ =	shalt  }
0x81: {  	_ =	shalt  }
0x82: {  	_ =	shalt  }
0x83: {  	_ =	shalt  }
0x84: {  	_ =	shalt  }
0x85: {  	_ =	shalt  }
0x86: {  	_ =	shalt  }
0x87: {  	_ =	shalt  }
.Lfunc_end0:
.L_simem_size_0:
called_computation_lowered:
.L_overlay_start_0:
0x88: {  	s2 =	sld [smem:$0x3FD9]  }
0x89: {  	s3 =	sld [smem:$0x3FFE];
	_ =	sdelay $0x1  }
0x8a: {  	s1 =	srdreg.scid  }
0x8b: {  	s0 =	sand.u32 $0x1, s1  }
0x8c: {  	s17 =	sshll.u32 s0, $0xA;
	s2 =	sadd.s32 s3, s2  }
0x8d: {  	s2 =	sadd.s32 s2, s17  }
0x8e: {  	[smem:$0x3FC5] =	sst s2  }
0x8f: {  	_ = 	snop  }
0x90: {  	s2 =	sld [smem:$0x3FD0];
	(tm) =	ssettm $0x1  }
0x91: {  	s18 =	sld [smem:$0x3FFB];
	_ =	sdelay $0x3  }
0x92: {  	_ =	strace s18  }
0x93: {  	s3 =	sld [smem:$0x3FFC];
	_ =	sdelay $0x3  }
0x94: {  	_ =	strace s3  }
0x95: {  	s3 =	sld [smem:$0x3FFD];
	_ =	sdelay $0x3  }
0x96: {  	_ =	strace s3  }
0x97: {  	_ =	strace $0x8FFFFFFF  }
0x98: {  	s19 =	sld [smem:$0x3FDB];
	_ =	sdelay $0x1  }
0x99: {  	s4 =	simm.s32 $_scs_section_size  }
0x9a: {  	s5 =	simm.s32 $_size__tile_overlayer_lowered;
	s6 =	simm.s32 $_tile_overlayer_lowered  }
0x9b: {  	s22 =	simm.s32 $0x1BFF;
	s21 =	sshll.u32 s6, $0x1;
	s3 =	sadd.s32 s4, s19  }
0x9c: {  	s7 =	simm.s32 $0x0;
	s20 =	sshll.u32 s5, $0x1;
	s5 =	sadd.s32 s21, s3  }
0x9d: {  	[timem:s7], [sflag:s22] =	dma.local [hbm:s5], s20  }
0x9e: {  	_ =	swait.ge [sflag:s22], s20  }
0x9f: {  	s4 =	ssub.s32 $0x0, s20;
	[sflag:s22] =	ssyncset.done $0x0  }
0xa0: {  	[sflag:s22] =	ssyncadd.s32 s4;
	_ =	sdelay $0x1  }
0xa1: {  	s23 =	simm.s32 $0x1B8B  }
0xa2: {  	_ =	swait.ge [sflag:s23], $0x1  }
0xa3: {  	[sflag:s23] =	ssyncset.done $0x0  }
0xa4: {  	s25 =	simm.s32 $0x1B8E;
	s24 =	sld [smem:$0x3FFE];
	[sflag:s23] =	ssyncadd.s32 $0xFFFFFFFF  }
0xa5: {  	s26 =	simm.s32 $execute0_lowered;
	[smem:$0x3FD2] =	sst s25  }
0xa6: {  	s5 =	sshll.u32 s26, $0x1;
	_ =	strace $0x80000046;
	[dreg:$0x1] =	wrdreg $0xFFFFFFFF  }
0xa7: {  	s28 =	simm.s32 $_size_execute0_lowered;
	s3 =	sadd.s32 s3, s5;
	[dreg:$0x0] =	wrdreg $0x0  }
0xa8: {  	s5 =	sshll.u32 s28, $0x1;
	[dreg:$0x2] =	wrdreg s3  }
0xa9: {  	[dreg:$0x3] =	wrdreg s5  }
0xaa: {  	[dreg:$0x4] =	wrdreg $0xC0  }
0xab: {  	_ =	task [dreg:s7], $0x5FFFF  }
0xac: {  	[dreg:$0x1] =	wrdreg $0xFFFFFFFF  }
0xad: {  	[dreg:$0x0] =	wrdreg $0x60  }
0xae: {  	[dreg:$0x2] =	wrdreg s2  }
0xaf: {  	[dreg:$0x3] =	wrdreg s24  }
0xb0: {  	[dreg:$0x4] =	wrdreg $0x22500  }
0xb1: {  	[dreg:$0x5] =	wrdreg $0x9  }
0xb2: {  	_ =	task.clear_ibuf [dreg:s7], $0x6FFFF;
	_ =	strace $0x90000046  }
0xb3: {  	s29 =	simm.s32 $0x9;
	_ =	strace $0x80000048  }
0xb4: {  	_ =	swait.ge [sflag:s29], $0x1  }
0xb5: {  	[sflag:s29] =	ssyncadd.s32 $0xFFFFFFFF  }
0xb6: {  	_ =	strace $0x90000048  }
0xb7: {  	_ =	sfence  }
0xb8: {  	s30 =	sld [smem:$0x0];
	_ =	sdelay $0x2  }
0xb9: {  	s31 =	sshll.u32 s1, $0xD;
	s1 =	sshrl.u32 s1, $0x2  }
0xba: {  	s3 =	sand.u32 $0x4000, s31;
	s1 =	sadd.s32 s1, s30  }
0xbb: {  	s0 =	sor.u32 s3, s0;
	s1 =	sshll.u32 s1, $0x11  }
0xbc: {  	s0 =	sor.u32 s1, s0  }
0xbd: {  	s0 =	sadd.s32 $0x8F2B, s0  }
0xbe: {  	[sflag:s0] =	ssyncadd.remote.s32 $0x1  }
0xbf: {  	_ =	sfence.sel $0xFFFF  }
0xc0: {  	[dreg:$0x0] =	wrdreg $0xFFFFFFFF;
	(pc) =	sbr.abs _section_cstart, $3  }
0xc1: {  	[dreg:$0x1] =	wrdreg $0xFFFFFFFF  }
0xc2: {  	_ =	task.clear_ibuf [dreg:s7], $0x2FFFF;
	_ =	strace $0x9FFFFFFF  }
0xc3: {  	(tm) =	ssettm $0x7FFFFFFF  }
tec
execute0_lowered:
.L_overlay_start_1:
0x0: {  	(tag) =	ssettag $0x1  }
0x1: {  	s1 =	rddreg [dreg:$0x0]  }
0x2: {  	s9 =	rddreg [dreg:$0x1]  }
0x3: {  	s2 =	rddreg [dreg:$0x2]  }
0x4: {  	s0 =	rddreg [dreg:$0x3]  }
0x5: {  	s3 =	simm.s32 $0x0;
	s7 =	srdreg.scid;
	s4 =	stileid.u32  }
0x6: {  	s16 =	simm.s32 $0x3;
	s17 =	simm.s32 $0x1;
	s18 =	simm.s32 $0xD0  }
0x7: {  	s19 =	simm.s32 $0x150;
	s20 =	simm.s32 $0x80;
	s22 =	simm.s32 $0x1D0  }
0x8: {  	s23 =	simm.s32 $0x0;
	[smem:$0x7FF] =	sst s3;
	s5 =	sadd.s32 $0x800, s9  }
0x9: {  	s6 =	sadd.s32 $0xFE00, s9;
	s10 =	sand.u32 $0x1, s7;
	s7 =	sadd.s32 $0x1F400, s9  }
0xa: {  	s12 =	smul.u32 $0x20800, s4;
	s8 =	sadd.s32 $0x1F600, s9;
	s9 =	sadd.s32 $0x20800, s9  }
0xb: {  	s31 =	sshll.u32 s4, $0x1;
	s21 =	smul.u32 $0x208, s4;
	_ =	strace $0x80000047  }
.Ltmp0:
0xc: {  	s11 =	ssub.s32 $0x2, s10;
	s10 =	sor.u32 s10, s31;
	(pc) =	sbr.rel .LBB2_1-.Ltmp0, $4  }
0xd: {  	s13 =	sshrl.u32 s11, $0x1;
	s12 =	sshrl.u32 s12, $0x2;
	s14 =	sand.u32 $0x7, s10  }
0xe: {  	v0 =	vmov s21;
	s21 =	simm.s32 $0x250;
	s11 =	ssub.s32 s11, s13;
	s15 =	sadd.s32 s12, s2  }
0xf: {  	s12 =	sshll.u32 s4, $0x6;
	s13 =	simm.s32 $0x2;
	p0 =	sne.s32 s14, $0x0  }
0x10: {  	s11 =	smax.u32 s11, $0x1;
	s14 =	sor.u32 $0x1C03, s12;
	s15 =	sshrl.u32 s15, $0x3  }
.LBB2_9:
0x11: {  	s23 =	sadd.s32 $0x1, s23  }
0x12: {  	p1 =	sne.s32 s23, s11  }
.Ltmp1:
0x13: {  	_ = 	snop;
	(pc) =	sbr.rel @!p1 .LBB2_10-.Ltmp1, $1  }
0x14: {  	_ =	sdelay $0x3  }
.LBB2_1:
.Ltmp2:
0x15: {  	(pc) =	sbr.rel .LBB2_2-.Ltmp2, $4  }
0x16: {  	[tilespmem:s3], [sflag:$0x2] =	stream.linear.gather [hbm4b:s7+s3], $0xD0, $0x38;
	[tilespmem:$0xA450] =	vst v63  }
0x17: {  	_ =	swait.ge [sflag:s13], $0xD0  }
0x18: {  	[sflag:s13] =	ssyncset.done $0x0  }
0x19: {  	s24 =	simm.s32 $0x0;
	[sflag:s13] =	ssyncadd.s32 $0xFFFFFF30  }
.LBB2_6:
0x1a: {  	vm1 =	vmand vm4, vm1  }
0x1b: {  	vm2 =	vmand vm2, vm3;
	v2 =	vadd.s32 v0, v8;
	v5 =	vnsel vm1, $0x200, v5  }
0x1c: {  	vm15 =	vlt.s32 v3, v1;
	v4 =	vnsel vm2, $0x200, v4;
	[tilespmem:$0x210] =	vst v2;
	v1 =	vadd.s32 v0, v5  }
0x1d: {  	vm0 =	vmand vm0, vm15;
	v2 =	vadd.s32 v0, v4;
	[tilespmem:$0x220] =	vst v1  }
0x1e: {  	v1 =	vnsel vm0, $0x200, v6;
	[tilespmem:$0x1E0] =	vst v2;
	v2 =	vadd.s32 v0, v7  }
0x1f: {  	v1 =	vadd.s32 v0, v1;
	[tilespmem:$0x200] =	vst v2  }
0x20: {  	[tilespmem:$0x1F0] =	vst v1  }
0x21: {  	[tilespmem:s21], [sflag:$0x1] =	stream.indirect.gather [hbm4b:s1+s20], $0x40, s18, s20, $0xb8;
	[tilespmem:$0xA450] =	vst v63  }
0x22: {  	_ =	swait.ge [sflag:s17], $0x2000  }
0x23: {  	[sflag:s17] =	ssyncset.done $0x0  }
0x24: {  	[sflag:s17] =	ssyncadd.s32 $0xFFFFE000  }
0x25: {  	[spmem:s2] =	stream.indirect.scatter.add.f32 [tilespmem:s21], [sflag:$0x3], $0x40, s22, s20, $0xb8;
	[tilespmem:$0xA450] =	vst v63  }
0x26: {  	_ =	swait.ge [sflag:s16], $0x2000  }
0x27: {  	[sflag:s16] =	ssyncset.done $0x0  }
0x28: {  	[sflag:s16] =	ssyncadd.s32 $0xFFFFE000  }
.LBB2_7:
0x29: {  	s25 =	sshll.u32 s25, $0xC  }
0x2a: {  	s26 =	sor.u32 $0x1C02, s12;
	s25 =	sadd.s32 s9, s25  }
0x2b: {  	[hbm:s25], [sflag:s26] =	dma.local [spmem:s15], $0x1000  }
0x2c: {  	_ =	swait.ge [sflag:s13], $0x1000  }
0x2d: {  	[sflag:s13] =	ssyncset.done $0x0  }
0x2e: {  	[sflag:s13] =	ssyncadd.s32 $0xFFFFF000  }
.LBB2_8:
0x2f: {  	s24 =	sadd.s32 $0x1, s24  }
0x30: {  	p1 =	sne.s32 s24, $0x7  }
.Ltmp3:
0x31: {  	_ = 	snop;
	(pc) =	sbr.rel @!p1 .LBB2_9-.Ltmp3, $1  }
0x32: {  	_ =	sdelay $0x3  }
.LBB2_2:
0x33: {  	s25 =	sshll.u32 s24, $0x5  }
0x34: {  	s25 =	sor.u32 s10, s25  }
0x35: {  	p1 =	sgt.u32 s25, $0xC3  }
.Ltmp4:
0x36: {  	_ = 	snop;
	(pc) =	sbr.rel @p1 .LBB2_8-.Ltmp4, $1  }
0x37: {  	_ =	sdelay $0x3  }
0x38: {  	[spmem:s15], [sflag:s14] =	dma.local [hbm:s8], $0x1040  }
0x39: {  	p1 =	seq.s32 s25, $0x0  }
0x3a: {  	p1 =	por !p0, !p1  }
0x3b: {  	s26 =	simm.s32 $0x1;
	p1 =	por !p1, !p1  }
0x3c: {  	s28 =	sshrl.u32 s25, $0x3;
	s26 =	simm.s32 @!p1 $0x0  }
0x3d: {  	_ =	swait.ge [sflag:s16], $0x1040;
	s28 =	ssub.s32 s28, s26  }
0x3e: {  	[sflag:s16] =	ssyncset.done $0x0;
	s26 =	sshll.u32 s28, $0x5  }
0x3f: {  	[sflag:s16] =	ssyncadd.s32 $0xFFFFEFC0;
	s26 =	sshra.s32 s26, $0x2  }
0x40: {  	v1 =	vld [tilespmem:s26+$0x0];
	_ =	sdelay $0x4  }
0x41: {  	(v2sf) =	vpush v1, $0x0  }
0x42: {  	(v2sf) =	vpush v1, $0x1  }
0x43: {  	(v2sf) =	vpush v1, $0x2  }
0x44: {  	(v2sf) =	vpush v1, $0x3;
	_ =	sdelay $0x1  }
0x45: {  	(v2sf) =	vpush v1, $0x4  }
0x46: {  	(v2sf) =	vpush v1, $0x5  }
0x47: {  	(v2sf) =	vpush v1, $0x6;
	_ =	sdelay $0x1  }
0x48: {  	(v2sf) =	vpush v1, $0x7  }
0x49: {  	(v2sf) =	vpush v1, $0x8;
	_ =	sdelay $0x1  }
0x4a: {  	(v2sf) =	vpush v1, $0x9;
	_ =	sdelay $0x2  }
0x4b: {  	s28 =	sshll.u32 s28, $0x3;
	s26 =	spop (v2sf)  }
0x4c: {  	s28 =	ssub.s32 s25, s28;
	s29 =	spop (v2sf)  }
0x4d: {  	p1 =	seq.s32 s28, $0x1;
	s30 =	spop (v2sf)  }
0x4e: {  	p2 =	seq.s32 s28, $0x2;
	s26 =	smov.u32 @p1 s29;
	s31 =	spop (v2sf)  }
0x4f: {  	s29 =	smov.u32 @p1 s30;
	s26 =	smov.u32 @p2 s30;
	p1 =	seq.s32 s28, $0x3  }
0x50: {  	s30 =	spop (v2sf);
	s29 =	smov.u32 @p2 s31;
	s26 =	smov.u32 @p1 s31  }
0x51: {  	p2 =	seq.s32 s28, $0x4;
	s31 =	spop (v2sf);
	s29 =	smov.u32 @p1 s30  }
0x52: {  	s26 =	smov.u32 @p2 s30;
	p1 =	seq.s32 s28, $0x5;
	s30 =	spop (v2sf)  }
0x53: {  	s29 =	smov.u32 @p2 s31;
	s26 =	smov.u32 @p1 s31;
	p2 =	seq.s32 s28, $0x6  }
0x54: {  	s31 =	spop (v2sf);
	s29 =	smov.u32 @p1 s30;
	s26 =	smov.u32 @p2 s30  }
0x55: {  	p1 =	seq.s32 s28, $0x7;
	s30 =	spop (v2sf);
	s29 =	smov.u32 @p2 s31  }
0x56: {  	s26 =	smov.u32 @p1 s31;
	s29 =	smov.u32 @p1 s30;
	p1 =	seq.s32 s28, $0x8  }
0x57: {  	s28 =	spop (v2sf);
	s26 =	smov.u32 @p1 s30  }
0x58: {  	s29 =	smov.u32 @p1 s28;
	s28 =	sand.u32 $0xFFFFFFF8, s26  }
0x59: {  	s28 =	ssub.s32 s29, s28  }
0x5a: {  	s28 =	sadd.s32 $0x7F, s28  }
0x5b: {  	s29 =	sand.u32 $0x7F, s28  }
0x5c: {  	s31 =	sshra.s32 s28, $0x1F;
	p5 =	slt.s32 s28, $0x1;
	p6 =	sne.s32 s29, $0x0  }
0x5d: {  	s31 =	sshrl.u32 s31, $0x19;
	p1 =	por !p5, !p6  }
0x5e: {  	s29 =	simm.s32 $0x1;
	s28 =	sadd.s32 s31, s28;
	p1 =	por !p1, !p1  }
0x5f: {  	s28 =	sshra.s32 s28, $0x7;
	s29 =	simm.s32 @!p1 $0x0  }
0x60: {  	s28 =	ssub.s32 s28, s29  }
0x61: {  	p1 =	slt.s32 s28, $0x1  }
.Ltmp5:
0x62: {  	_ = 	snop;
	(pc) =	sbr.rel @p1 .LBB2_7-.Ltmp5, $1  }
0x63: {  	_ =	sdelay $0x3  }
0x64: {  	s29 =	sshrl.u32 s26, $0x3  }
0x65: {  	s30 =	sadd.s32 s5, s29  }
0x66: {  	[tilespmem:s18], [sflag:$0x3] =	stream.linear.gather [hbm4b:s30+s3], $0x80, $0x38;
	[tilespmem:$0xA450] =	vst v63  }
0x67: {  	_ =	swait.ge [sflag:s16], $0x80  }
0x68: {  	[sflag:s16] =	ssyncset.done $0x0  }
0x69: {  	s29 =	sadd.s32 s6, s29;
	[sflag:s16] =	ssyncadd.s32 $0xFFFFFF80  }
0x6a: {  	[tilespmem:s19], [sflag:$0x3] =	stream.linear.gather [hbm4b:s29+s3], $0x80, $0x38;
	[tilespmem:$0xA450] =	vst v63  }
0x6b: {  	_ =	swait.ge [sflag:s16], $0x80  }
0x6c: {  	[sflag:s16] =	ssyncset.done $0x0  }
0x6d: {  	[sflag:s16] =	ssyncadd.s32 $0xFFFFFF80  }
0x6e: {  	v4 =	vld [tilespmem:$0x1C0]  }
0x6f: {  	v5 =	vld [tilespmem:$0x1B0]  }
0x70: {  	v6 =	vld [tilespmem:$0x190]  }
0x71: {  	s29 =	sshll.u32 s25, $0x9;
	v7 =	vld [tilespmem:$0x150]  }
0x72: {  	s31 =	sadd.s32 $0x200, s29;
	v8 =	vld [tilespmem:$0x180]  }
0x73: {  	v2 =	vmov s29;
	v1 =	vmov s31;
	v3 =	vld [tilespmem:$0x170]  }
0x74: {  	vm0 =	vge.s32 v4, v2;
	vm1 =	vlt.s32 v4, v1;
	v4 =	vsub.s32 v4, v2  }
0x75: {  	v9 =	vld [tilespmem:$0x160];
	vm2 =	vge.s32 v5, v2;
	vm3 =	vlt.s32 v5, v1;
	v5 =	vsub.s32 v5, v2  }
0x76: {  	v10 =	vsub.s32 v6, v2;
	vm4 =	vge.s32 v6, v2;
	vm5 =	vlt.s32 v6, v1  }
0x77: {  	v11 =	vld [tilespmem:$0x1A0];
	vm6 =	vlt.s32 v8, v1;
	vm2 =	vmand vm2, vm3;
	vm1 =	vmand vm0, vm1  }
0x78: {  	vm3 =	vlt.s32 v7, v1;
	vm0 =	vge.s32 v3, v2;
	vm4 =	vmand vm4, vm5  }
0x79: {  	v5 =	vnsel vm2, $0x200, v5;
	vm2 =	vge.s32 v7, v2;
	v12 =	vnsel vm1, $0x200, v4  }
0x7a: {  	p1 =	sne.s32 s28, $0x1;
	v4 =	vsub.s32 v9, v2;
	vm1 =	vge.s32 v8, v2;
	v7 =	vsub.s32 v7, v2  }
.Ltmp6:
0x7b: {  	v8 =	vsub.s32 v8, v2;
	v6 =	vadd.s32 v0, v5;
	vm2 =	vmand vm2, vm3;
	(pc) =	sbr.rel @!p1 .LBB2_6-.Ltmp6, $4  }
0x7c: {  	vm6 =	vmand vm1, vm6;
	v5 =	vsub.s32 v11, v2;
	v12 =	vadd.s32 v0, v12  }
0x7d: {  	vm1 =	vlt.s32 v11, v1;
	vm3 =	vlt.s32 v9, v1;
	[tilespmem:$0x230] =	vst v6;
	v7 =	vnsel vm2, $0x200, v7  }
0x7e: {  	vm2 =	vge.s32 v9, v2;
	v6 =	vsub.s32 v3, v2;
	[tilespmem:$0x240] =	vst v12;
	v7 =	vadd.s32 v0, v7  }
0x7f: {  	s28 =	sadd.s32 $0xFFFFFFFF, s28;
	[tilespmem:$0x1D0] =	vst v7;
	v7 =	vnsel vm6, $0x200, v8;
	v8 =	vnsel vm4, $0x200, v10;
	vm4 =	vge.s32 v11, v2  }
.LBB2_5:
0x80: {  	p1 =	sne.s32 s28, $0x1;
	s28 =	sadd.s32 $0xFFFFFFFF, s28;
	vm2 =	vmand vm2, vm3;
	v8 =	vadd.s32 v0, v8;
	vm1 =	vmand vm4, vm1;
	s26 =	sadd.s32 $0x80, s26  }
0x81: {  	v4 =	vnsel vm2, $0x200, v4;
	vm2 =	vlt.s32 v3, v1;
	[tilespmem:$0x210] =	vst v8;
	v3 =	vnsel vm1, $0x200, v5  }
0x82: {  	v4 =	vadd.s32 v0, v4;
	vm0 =	vmand vm0, vm2;
	v3 =	vadd.s32 v0, v3  }
0x83: {  	v5 =	vnsel vm0, $0x200, v6;
	[tilespmem:$0x220] =	vst v3  }
0x84: {  	[tilespmem:$0x1E0] =	vst v4;
	v3 =	vadd.s32 v0, v5;
	v4 =	vadd.s32 v0, v7  }
0x85: {  	[tilespmem:$0x200] =	vst v4;
	_ =	sdelay $0x1  }
0x86: {  	[tilespmem:$0x1F0] =	vst v3  }
0x87: {  	[tilespmem:s21], [sflag:$0x1] =	stream.indirect.gather [hbm4b:s1+s20], $0x40, s18, s20, $0xb8;
	[tilespmem:$0xA450] =	vst v63  }
0x88: {  	_ =	swait.ge [sflag:s17], $0x2000  }
0x89: {  	[sflag:s17] =	ssyncset.done $0x0  }
0x8a: {  	[sflag:s17] =	ssyncadd.s32 $0xFFFFE000  }
0x8b: {  	[spmem:s2] =	stream.indirect.scatter.add.f32 [tilespmem:s21], [sflag:$0x3], $0x40, s22, s20, $0xb8;
	[tilespmem:$0xA450] =	vst v63  }
0x8c: {  	_ =	swait.ge [sflag:s16], $0x2000  }
0x8d: {  	s29 =	sshrl.u32 s26, $0x3;
	[sflag:s16] =	ssyncset.done $0x0  }
0x8e: {  	s30 =	sadd.s32 s5, s29;
	[sflag:s16] =	ssyncadd.s32 $0xFFFFE000  }
0x8f: {  	[tilespmem:s18], [sflag:$0x3] =	stream.linear.gather [hbm4b:s30+s3], $0x80, $0x38;
	[tilespmem:$0xA450] =	vst v63  }
0x90: {  	_ =	swait.ge [sflag:s16], $0x80  }
0x91: {  	[sflag:s16] =	ssyncset.done $0x0  }
0x92: {  	s29 =	sadd.s32 s6, s29;
	[sflag:s16] =	ssyncadd.s32 $0xFFFFFF80  }
0x93: {  	[tilespmem:s19], [sflag:$0x3] =	stream.linear.gather [hbm4b:s29+s3], $0x80, $0x38;
	[tilespmem:$0xA450] =	vst v63  }
0x94: {  	_ =	swait.ge [sflag:s16], $0x80  }
0x95: {  	[sflag:s16] =	ssyncset.done $0x0  }
0x96: {  	[sflag:s16] =	ssyncadd.s32 $0xFFFFFF80  }
0x97: {  	v4 =	vld [tilespmem:$0x1C0]  }
0x98: {  	v5 =	vld [tilespmem:$0x1B0]  }
0x99: {  	v6 =	vld [tilespmem:$0x190]  }
0x9a: {  	v7 =	vld [tilespmem:$0x150]  }
0x9b: {  	v3 =	vld [tilespmem:$0x170]  }
0x9c: {  	v8 =	vld [tilespmem:$0x180];
	vm0 =	vge.s32 v4, v2;
	vm1 =	vlt.s32 v4, v1;
	v4 =	vsub.s32 v4, v2  }
0x9d: {  	v9 =	vld [tilespmem:$0x160];
	vm2 =	vge.s32 v5, v2;
	vm3 =	vlt.s32 v5, v1;
	v5 =	vsub.s32 v5, v2  }
0x9e: {  	vm1 =	vmand vm0, vm1;
	v10 =	vsub.s32 v6, v2;
	v11 =	vld [tilespmem:$0x1A0];
	vm2 =	vmand vm2, vm3  }
0x9f: {  	vm4 =	vge.s32 v6, v2;
	vm3 =	vlt.s32 v7, v1;
	v5 =	vnsel vm2, $0x200, v5  }
0xa0: {  	vm5 =	vlt.s32 v6, v1;
	vm2 =	vge.s32 v7, v2;
	v5 =	vadd.s32 v0, v5  }
0xa1: {  	v6 =	vnsel vm1, $0x200, v4;
	vm0 =	vge.s32 v3, v2;
	vm6 =	vlt.s32 v8, v1;
	[tilespmem:$0x230] =	vst v5  }
0xa2: {  	vm2 =	vmand vm2, vm3;
	vm1 =	vge.s32 v8, v2;
	v4 =	vsub.s32 v9, v2  }
.Ltmp7:
0xa3: {  	v6 =	vadd.s32 v0, v6;
	vm6 =	vmand vm1, vm6;
	v5 =	vsub.s32 v11, v2;
	(pc) =	sbr.rel @p1 .LBB2_5-.Ltmp7, $4  }
0xa4: {  	v7 =	vsub.s32 v7, v2;
	v8 =	vsub.s32 v8, v2;
	vm1 =	vlt.s32 v11, v1;
	[tilespmem:$0x240] =	vst v6  }
0xa5: {  	v7 =	vnsel vm2, $0x200, v7;
	vm2 =	vge.s32 v9, v2;
	v6 =	vsub.s32 v3, v2  }
0xa6: {  	vm4 =	vmand vm4, vm5;
	v7 =	vadd.s32 v0, v7;
	vm3 =	vlt.s32 v9, v1  }
0xa7: {  	[tilespmem:$0x1D0] =	vst v7;
	v7 =	vnsel vm6, $0x200, v8;
	v8 =	vnsel vm4, $0x200, v10;
	vm4 =	vge.s32 v11, v2  }
.Ltmp8:
0xa8: {  	_ = 	snop;
	(pc) =	sbr.rel .LBB2_6-.Ltmp8, $1  }
0xa9: {  	_ =	sdelay $0x3  }
.LBB2_10:
0xaa: {  	_ =	sfence.sel $0x180000  }
0xab: {  	[bflag:$0x0] =	sbarrier.arrive $0xFFFF  }
0xac: {  	p0 =	sne.s32 s4, $0x0;
	_ =	strace $0x90000047  }
0xad: {  	s0 =	sadd.s32 @!p0 $0x100000, s0;
	[bflag:$0x2] =	sbarrier.arrive $0xFFFF  }
0xae: {  	[sflag:s0] =	ssyncadd.tile.s32 @!p0 $0x1;
	_ =	shalt  }
.Lfunc_end2:
_tile_overlayer_lowered:
.L_overlay_start_2:
0xaf: {  	(tag) =	ssettag $0x2  }
0xb0: {  	s0 =	rddreg [dreg:$0x0];
	s2 =	stileid.u32  }
0xb1: {  	s1 =	rddreg [dreg:$0x1];
	p0 =	sne.s32 s2, $0x0  }
0xb2: {  	s3 =	rddreg [dreg:$0x2];
	[bflag:$0x3] =	sbarrier.arrive $0xFFFF;
	s2 =	simm.s32 @!p0 $0x1C02  }
0xb3: {  	[timem:s3], [sflag:s2] =	dma.local @!p0 [hbm:s0], s1  }
0xb4: {  	s0 =	simm.s32 @!p0 $0x2  }
0xb5: {  	_ =	swait.ge @!p0 [sflag:s0], s1  }
0xb6: {  	s1 =	ssub.s32 @!p0 $0x0, s1;
	[sflag:s0] =	ssyncset.done @!p0 $0x0  }
0xb7: {  	[sflag:s0] =	ssyncadd.s32 @!p0 s1  }
0xb8: {  	[bflag:$0x3] =	sbarrier.arrive $0xFFFF  }
0xb9: {  	_ =	shalt  }

</sc_bundles>
